<compile_context>
chip_gen: v7x
topology: tpu7x:2x2x1
jax: 0.10.2.dev20260603
libtpu: 0.0.44.dev20260713+nightly
codegen_flags: <defaults>
</compile_context>

<pallas_src>
import functools

import jax
import jax.numpy as jnp
from jax import lax
from jax.experimental import pallas as pl
from jax.experimental.pallas import tpu as pltpu
from jax.experimental.pallas import tpu_sc as plsc

_VOCAB = 100000
_HIDDEN = 128
_SEQ = 200
_BATCH = 1024
_ROWS = _BATCH * _SEQ
_NW = 32
_ROWS_PER_W = _ROWS // _NW
_CHUNK = 128
_NCHUNK = _ROWS_PER_W // _CHUNK


def _lane_sum(v):
    i = lax.iota(jnp.int32, 16)
    dnums = lax.GatherDimensionNumbers(
        offset_dims=(), collapsed_slice_dims=(0,), start_index_map=(0,))
    for d in (1, 2, 4, 8):
        perm = lax.gather(
            v, (i ^ d)[:, None], dnums, (1,),
            mode=lax.GatherScatterMode.PROMISE_IN_BOUNDS)
        v = v + perm
    return v


def _tree_sum(vs):
    vs = list(vs)
    while len(vs) > 1:
        vs = [vs[i] + vs[i + 1] for i in range(0, len(vs) - 1, 2)] + (
            [vs[-1]] if len(vs) % 2 else [])
    return vs[0]


def _rsqrt(d):
    i = lax.bitcast_convert_type(d, jnp.int32)
    i = jnp.int32(0x5F3759DF) - (i >> 1)
    y = lax.bitcast_convert_type(i, jnp.float32)
    return y * (1.5 - 0.5 * d * y * y)


def _sc_body(table_hbm, ids_hbm, pos_hbm, out_hbm, ids_v, pos_v,
             rows0, rows1, outv0, outv1, gsem0, gsem1, osem0, osem1):
    wid = lax.axis_index("s") * 2 + lax.axis_index("c")
    row0 = wid * _ROWS_PER_W
    rows = (rows0, rows1)
    outs = (outv0, outv1)
    gsems = (gsem0, gsem1)
    osems = (osem0, osem1)

    pltpu.sync_copy(ids_hbm.at[pl.ds(row0, _ROWS_PER_W)], ids_v)
    pltpu.sync_copy(pos_hbm.at[pl.ds(0, _SEQ * _HIDDEN)], pos_v)

    pltpu.async_copy(table_hbm.at[ids_v.at[pl.ds(0, _CHUNK)]], rows0, gsem0)

    def group_body(i, _):
        for b in (0, 1):
            c = 2 * i + b
            base = row0 + c * _CHUNK
            pltpu.make_async_copy(
                table_hbm.at[ids_v.at[pl.ds(c * _CHUNK, _CHUNK)]],
                rows[b], gsems[b]).wait()

            @pl.when(c + 1 < _NCHUNK)
            def _():
                idx = ids_v.at[pl.ds((c + 1) * _CHUNK, _CHUNK)]
                pltpu.async_copy(table_hbm.at[idx], rows[b ^ 1], gsems[b ^ 1])

            @pl.when(i >= 1)
            def _():
                pltpu.make_async_copy(
                    outs[b],
                    out_hbm.at[pl.ds(base - 2 * _CHUNK, _CHUNK)],
                    osems[b]).wait()

            rows_v = rows[b]
            out_v = outs[b]

            @plsc.parallel_loop(0, _CHUNK, unroll=4)
            def row_body(r):
                p = (base + r) % _SEQ
                pb = p * _HIDDEN
                xs = []
                acc = None
                sq = None
                for k in range(_HIDDEN // 16):
                    v = (rows_v[r, pl.ds(16 * k, 16)]
                         + pos_v[pl.ds(pb + 16 * k, 16)])
                    xs.append(v)
                    acc = v if acc is None else acc + v
                    sq = v * v if sq is None else sq + v * v
                tot = _lane_sum(acc)
                totsq = _lane_sum(sq)
                mean = tot * (1.0 / _HIDDEN)
                var = totsq * (1.0 / _HIDDEN) - mean * mean
                rinv = _rsqrt(var + 1e-3)
                for k in range(_HIDDEN // 16):
                    out_v[r, pl.ds(16 * k, 16)] = (xs[k] - mean) * rinv

            pltpu.async_copy(out_v, out_hbm.at[pl.ds(base, _CHUNK)], osems[b])
        return 0

    lax.fori_loop(0, _NCHUNK // 2, group_body, 0)

    for b, cl in ((0, _NCHUNK - 2), (1, _NCHUNK - 1)):
        pltpu.make_async_copy(
            outs[b], out_hbm.at[pl.ds(row0 + cl * _CHUNK, _CHUNK)],
            osems[b]).wait()


@jax.jit
def _sc_call(word_embeddings, ids_flat, pos_flat):
    mesh = plsc.VectorSubcoreMesh(core_axis_name="c", subcore_axis_name="s")
    fn = functools.partial(
        pl.kernel,
        mesh=mesh,
        out_type=jax.ShapeDtypeStruct((_ROWS, _HIDDEN), jnp.float32),
        scratch_types=[
            pltpu.VMEM((_ROWS_PER_W,), jnp.int32),
            pltpu.VMEM((_SEQ * _HIDDEN,), jnp.float32),
            pltpu.VMEM((_CHUNK, _HIDDEN), jnp.float32),
            pltpu.VMEM((_CHUNK, _HIDDEN), jnp.float32),
            pltpu.VMEM((_CHUNK, _HIDDEN), jnp.float32),
            pltpu.VMEM((_CHUNK, _HIDDEN), jnp.float32),
            pltpu.SemaphoreType.DMA,
            pltpu.SemaphoreType.DMA,
            pltpu.SemaphoreType.DMA,
            pltpu.SemaphoreType.DMA,
        ],
    )(_sc_body)
    return fn(word_embeddings, ids_flat, pos_flat)


def kernel(input_ids, token_type_ids, word_embeddings, position_embeddings):
    del token_type_ids
    b, s = input_ids.shape
    ids_flat = input_ids.reshape(-1).astype(jnp.int32)
    pos_flat = position_embeddings.reshape(-1)
    out = _sc_call(word_embeddings, ids_flat, pos_flat)
    return out.reshape(b, s, _HIDDEN)

# --- scband reference (transcript-rebuilt; emitter-appended) ---
"""Pipeline reference for scband-mca-embeddings-22119081574606 (READ-ONLY COPY).

The authoritative reference and input builder live on the scoring server;
editing this copy changes nothing except your own understanding.
"""

import jax, jax.numpy as jnp
import numpy as np

VOCAB = 100000
HIDDEN = 128
MAX_POS = 512
BATCH = 1024
SEQ = 200


def setup_inputs(seed: int = 0) -> dict:
    key = jax.random.key(seed)
    k1, k2, k3, k4 = jax.random.split(key, 4)
    input_ids = jax.random.randint(k1, (BATCH, SEQ), 0, VOCAB)
    token_type_ids = jax.random.randint(k2, (BATCH, SEQ), 0, 2)
    word_embeddings = jax.random.normal(k3, (VOCAB, HIDDEN), dtype=jnp.float32) * 0.02
    position_embeddings = jax.random.normal(k4, (MAX_POS, HIDDEN), dtype=jnp.float32) * 0.02
    return {
        "input_ids": input_ids,
        "token_type_ids": token_type_ids,
        "word_embeddings": word_embeddings,
        "position_embeddings": position_embeddings,
    }


def reference(input_ids, token_type_ids, word_embeddings, position_embeddings):
    # token_type_ids is accepted by the original call() but never used
    # (only word + position embeddings are summed in this module).
    input_embeddings = jnp.take(word_embeddings, input_ids, axis=0)  # [B, S, H] gather
    seq_length = input_ids.shape[1]
    pos = jax.lax.dynamic_slice_in_dim(position_embeddings, 0, seq_length, axis=0)  # [S, H]
    x = input_embeddings + pos[None, :, :]
    # Keras LayerNormalization instantiated fresh each call -> gamma=1, beta=0, eps=1e-3
    mean = jnp.mean(x, axis=-1, keepdims=True)
    var = jnp.var(x, axis=-1, keepdims=True)
    out = (x - mean) / jnp.sqrt(var + 1e-3)
    # dropout with training=False is identity
    return out

if __name__ == "__main__":
    import jax
    _d = setup_inputs()
    print(jax.jit(kernel)(*tuple(_d.values())))

</pallas_src>

<mosaic_0001>
#map = affine_map<(d0, d1) -> (0, 0)>
#map1 = affine_map<(d0, d1) -> (0)>
module attributes {stable_mosaic.version = 14 : i64} {
  func.func @_sc_body(%arg0: i32, %arg1: i32, %arg2: memref<100000x128xf32, #tpu.memory_space<hbm>>, %arg3: memref<204800xi32, #tpu.memory_space<hbm>>, %arg4: memref<65536xf32, #tpu.memory_space<hbm>>, %arg5: memref<204800x128xf32, #tpu.memory_space<hbm>>, %arg6: memref<6400xi32, #tpu.memory_space<vmem>>, %arg7: memref<25600xf32, #tpu.memory_space<vmem>>, %arg8: memref<128x128xf32, #tpu.memory_space<vmem>>, %arg9: memref<128x128xf32, #tpu.memory_space<vmem>>, %arg10: memref<128x128xf32, #tpu.memory_space<vmem>>, %arg11: memref<128x128xf32, #tpu.memory_space<vmem>>, %arg12: memref<!tpu.dma_semaphore, #tpu.memory_space<semaphore_mem>>, %arg13: memref<!tpu.dma_semaphore, #tpu.memory_space<semaphore_mem>>, %arg14: memref<!tpu.dma_semaphore, #tpu.memory_space<semaphore_mem>>, %arg15: memref<!tpu.dma_semaphore, #tpu.memory_space<semaphore_mem>>) attributes {dimension_semantics = [#tpu.dimension_semantics<core_parallel>, #tpu.dimension_semantics<subcore_parallel>], iteration_bounds = array<i64: 2, 16>, scalar_prefetch = 0 : i64, scratch_operands = 10 : i64, tpu.core_type = #tpu.core_type<sc_vector_subcore>, window_params = [{transform_indices = #map}, {transform_indices = #map1}, {transform_indices = #map1}, {transform_indices = #map}]} {
    %mul3A = arith.constant 2 : i32
    %mul3A_0 = arith.muli %arg1, %mul3A : i32
    %add3A = arith.addi %mul3A_0, %arg0 : i32
    %mul3A_1 = arith.constant 6400 : i32
    %mul3A_2 = arith.muli %add3A, %mul3A_1 : i32
    "tpu.region"() ({
      %run_scoped3A = tpu.sem_alloc : memref<!tpu.dma_semaphore, #tpu.memory_space<semaphore_mem>>
      %dma_start3A_24 = tpu.memref_slice %arg3[%mul3A_2] : memref<204800xi32, #tpu.memory_space<hbm>> -> memref<6400xi32, #tpu.memory_space<hbm>>
      %dma_start3A_25 = tpu.memref_slice %arg3[%mul3A_2] : memref<204800xi32, #tpu.memory_space<hbm>> -> memref<6400xi32, #tpu.memory_space<hbm>>
      tpu.enqueue_dma source(%dma_start3A_25 : memref<6400xi32, #tpu.memory_space<hbm>>) target(%arg6 : memref<6400xi32, #tpu.memory_space<vmem>>) target_semaphore(%run_scoped3A : memref<!tpu.dma_semaphore, #tpu.memory_space<semaphore_mem>>)
      %dma_wait3A_26 = tpu.memref_slice %arg3[%mul3A_2] : memref<204800xi32, #tpu.memory_space<hbm>> -> memref<6400xi32, #tpu.memory_space<hbm>>
      %dma_wait3A_27 = tpu.memref_slice %arg3[%mul3A_2] : memref<204800xi32, #tpu.memory_space<hbm>> -> memref<6400xi32, #tpu.memory_space<hbm>>
      tpu.wait_dma2 semaphore(%run_scoped3A : memref<!tpu.dma_semaphore, #tpu.memory_space<semaphore_mem>>) src(%dma_wait3A_27 : memref<6400xi32, #tpu.memory_space<hbm>>) dst(%arg6 : memref<6400xi32, #tpu.memory_space<vmem>>)
      tpu.yield
    }) : () -> ()
    "tpu.region"() ({
      %run_scoped3A = tpu.sem_alloc : memref<!tpu.dma_semaphore, #tpu.memory_space<semaphore_mem>>
      %dma_start3A_24 = arith.constant 0 : i32
      %dma_start3A_25 = tpu.memref_slice %arg4[%dma_start3A_24] : memref<65536xf32, #tpu.memory_space<hbm>> -> memref<25600xf32, #tpu.memory_space<hbm>>
      %dma_start3A_26 = arith.constant 0 : i32
      %dma_start3A_27 = tpu.memref_slice %arg4[%dma_start3A_26] : memref<65536xf32, #tpu.memory_space<hbm>> -> memref<25600xf32, #tpu.memory_space<hbm>>
      tpu.enqueue_dma source(%dma_start3A_27 : memref<25600xf32, #tpu.memory_space<hbm>>) target(%arg7 : memref<25600xf32, #tpu.memory_space<vmem>>) target_semaphore(%run_scoped3A : memref<!tpu.dma_semaphore, #tpu.memory_space<semaphore_mem>>)
      %dma_wait3A_28 = arith.constant 0 : i32
      %dma_wait3A_29 = tpu.memref_slice %arg4[%dma_wait3A_28] : memref<65536xf32, #tpu.memory_space<hbm>> -> memref<25600xf32, #tpu.memory_space<hbm>>
      %dma_wait3A_30 = arith.constant 0 : i32
      %dma_wait3A_31 = tpu.memref_slice %arg4[%dma_wait3A_30] : memref<65536xf32, #tpu.memory_space<hbm>> -> memref<25600xf32, #tpu.memory_space<hbm>>
      tpu.wait_dma2 semaphore(%run_scoped3A : memref<!tpu.dma_semaphore, #tpu.memory_space<semaphore_mem>>) src(%dma_wait3A_31 : memref<25600xf32, #tpu.memory_space<hbm>>) dst(%arg7 : memref<25600xf32, #tpu.memory_space<vmem>>)
      tpu.yield
    }) : () -> ()
    %dma_start3A = arith.constant 0 : i32
    %dma_start3A_3 = tpu.memref_slice %arg6[%dma_start3A] : memref<6400xi32, #tpu.memory_space<vmem>> -> memref<128xi32, #tpu.memory_space<vmem>>
    %dma_start3A_4 = arith.constant 0 : i32
    %dma_start3A_5 = arith.constant 0 : i32
    %dma_start3A_6 = tpu.memref_slice %arg2[%dma_start3A_4, %dma_start3A_5] : memref<100000x128xf32, #tpu.memory_space<hbm>> -> memref<100000x128xf32, #tpu.memory_space<hbm>>
    tpu.enqueue_indirect_dma source(%dma_start3A_6 : memref<100000x128xf32, #tpu.memory_space<hbm>>) target(%arg8 : memref<128x128xf32, #tpu.memory_space<vmem>>) offsets(%dma_start3A_3 : memref<128xi32, #tpu.memory_space<vmem>>) semaphore(%arg12 : memref<!tpu.dma_semaphore, #tpu.memory_space<semaphore_mem>>)
    %scan3A = arith.constant 0 : i32
    %scan3A_7 = arith.constant 0 : i32
    %scan3A_8 = arith.constant 25 : i32
    %scan3A_9 = arith.addi %scan3A_7, %scan3A_8 : i32
    %scan3A_10 = arith.constant 1 : i32
    %scan3A_11 = scf.for %scan3A_24 = %scan3A_7 to %scan3A_9 step %scan3A_10 iter_args(%scan3A_25 = %scan3A) -> (i32)  : i32 {
      %mul3A_26 = arith.constant 2 : i32
      %mul3A_27 = arith.muli %mul3A_26, %scan3A_24 : i32
      %add3A_28 = arith.constant 0 : i32
      %add3A_29 = arith.addi %mul3A_27, %add3A_28 : i32
      %mul3A_30 = arith.constant 128 : i32
      %mul3A_31 = arith.muli %add3A_29, %mul3A_30 : i32
      %add3A_32 = arith.addi %mul3A_2, %mul3A_31 : i32
      %mul3A_33 = arith.constant 128 : i32
      %mul3A_34 = arith.muli %add3A_29, %mul3A_33 : i32
      %dma_wait3A_35 = tpu.memref_slice %arg6[%mul3A_34] : memref<6400xi32, #tpu.memory_space<vmem>> -> memref<128xi32, #tpu.memory_space<vmem>>
      %dma_wait3A_36 = arith.constant 0 : i32
      %dma_wait3A_37 = arith.constant 0 : i32
      %dma_wait3A_38 = tpu.memref_slice %arg2[%dma_wait3A_36, %dma_wait3A_37] : memref<100000x128xf32, #tpu.memory_space<hbm>> -> memref<100000x128xf32, #tpu.memory_space<hbm>>
      tpu.wait_indirect_dma semaphore(%arg12 : memref<!tpu.dma_semaphore, #tpu.memory_space<semaphore_mem>>) src(%dma_wait3A_38 : memref<100000x128xf32, #tpu.memory_space<hbm>>) dst(%arg8 : memref<128x128xf32, #tpu.memory_space<vmem>>)
      %add3A_39 = arith.constant 1 : i32
      %add3A_40 = arith.addi %add3A_29, %add3A_39 : i32
      %lt3A = arith.constant 50 : i32
      %lt3A_41 = arith.cmpi slt, %add3A_40, %lt3A : i32
      %convert_element_type3A = arith.extui %lt3A_41 : i1 to i32
      %cond3A = arith.constant 0 : i32
      %cond3A_42 = arith.cmpi ne, %convert_element_type3A, %cond3A : i32
      scf.if %cond3A_42 {
        %add3A_86 = arith.constant 1 : i32
        %add3A_87 = arith.addi %add3A_29, %add3A_86 : i32
        %mul3A_88 = arith.constant 128 : i32
        %mul3A_89 = arith.muli %add3A_87, %mul3A_88 : i32
        %dma_start3A_90 = tpu.memref_slice %arg6[%mul3A_89] : memref<6400xi32, #tpu.memory_space<vmem>> -> memref<128xi32, #tpu.memory_space<vmem>>
        %dma_start3A_91 = arith.constant 0 : i32
        %dma_start3A_92 = arith.constant 0 : i32
        %dma_start3A_93 = tpu.memref_slice %arg2[%dma_start3A_91, %dma_start3A_92] : memref<100000x128xf32, #tpu.memory_space<hbm>> -> memref<100000x128xf32, #tpu.memory_space<hbm>>
        tpu.enqueue_indirect_dma source(%dma_start3A_93 : memref<100000x128xf32, #tpu.memory_space<hbm>>) target(%arg9 : memref<128x128xf32, #tpu.memory_space<vmem>>) offsets(%dma_start3A_90 : memref<128xi32, #tpu.memory_space<vmem>>) semaphore(%arg13 : memref<!tpu.dma_semaphore, #tpu.memory_space<semaphore_mem>>)
      } else {
      }
      %ge3A = arith.constant 1 : i32
      %ge3A_43 = arith.cmpi sge, %scan3A_24, %ge3A : i32
      %convert_element_type3A_44 = arith.extui %ge3A_43 : i1 to i32
      %cond3A_45 = arith.constant 0 : i32
      %cond3A_46 = arith.cmpi ne, %convert_element_type3A_44, %cond3A_45 : i32
      scf.if %cond3A_46 {
        %sub3A = arith.constant 256 : i32
        %sub3A_86 = arith.subi %add3A_32, %sub3A : i32
        %dma_wait3A_87 = arith.constant 0 : i32
        %dma_wait3A_88 = tpu.memref_slice %arg5[%sub3A_86, %dma_wait3A_87] : memref<204800x128xf32, #tpu.memory_space<hbm>> -> memref<128x128xf32, #tpu.memory_space<hbm>>
        %dma_wait3A_89 = arith.constant 0 : i32
        %dma_wait3A_90 = tpu.memref_slice %arg5[%sub3A_86, %dma_wait3A_89] : memref<204800x128xf32, #tpu.memory_space<hbm>> -> memref<128x128xf32, #tpu.memory_space<hbm>>
        tpu.wait_dma2 semaphore(%arg14 : memref<!tpu.dma_semaphore, #tpu.memory_space<semaphore_mem>>) src(%arg10 : memref<128x128xf32, #tpu.memory_space<vmem>>) dst(%dma_wait3A_90 : memref<128x128xf32, #tpu.memory_space<hbm>>)
      } else {
      }
      %parallel_loop3A = arith.constant 0 : i32
      %parallel_loop3A_47 = arith.constant 128 : i32
      %parallel_loop3A_48 = arith.constant 1 : i32
      scf.for %parallel_loop3A_86 = %parallel_loop3A to %parallel_loop3A_47 step %parallel_loop3A_48  : i32 {
        %parallel_loop3A_87 = arith.addi %add3A_32, %parallel_loop3A_86 : i32
        %parallel_loop3A_88 = arith.constant 200 : i32
        %parallel_loop3A_89 = arith.constant 0 : i32
        %parallel_loop3A_90 = arith.cmpi eq, %parallel_loop3A_88, %parallel_loop3A_89 : i32
        %parallel_loop3A_91 = arith.constant 1 : i32
        %parallel_loop3A_92 = arith.select %parallel_loop3A_90, %parallel_loop3A_91, %parallel_loop3A_88 : i32
        %parallel_loop3A_93 = arith.remsi %parallel_loop3A_87, %parallel_loop3A_92 : i32
        %parallel_loop3A_94 = arith.constant 0 : i32
        %parallel_loop3A_95 = arith.cmpi ne, %parallel_loop3A_93, %parallel_loop3A_94 : i32
        %parallel_loop3A_96 = arith.constant 0 : i32
        %parallel_loop3A_97 = arith.cmpi slt, %parallel_loop3A_93, %parallel_loop3A_96 : i32
        %parallel_loop3A_98 = arith.constant 0 : i32
        %parallel_loop3A_99 = arith.cmpi slt, %parallel_loop3A_92, %parallel_loop3A_98 : i32
        %parallel_loop3A_100 = arith.xori %parallel_loop3A_97, %parallel_loop3A_99 : i1
        %parallel_loop3A_101 = arith.andi %parallel_loop3A_100, %parallel_loop3A_95 : i1
        %parallel_loop3A_102 = arith.addi %parallel_loop3A_93, %parallel_loop3A_92 : i32
        %parallel_loop3A_103 = arith.select %parallel_loop3A_101, %parallel_loop3A_102, %parallel_loop3A_93 : i32
        %parallel_loop3A_104 = arith.constant 128 : i32
        %parallel_loop3A_105 = arith.muli %parallel_loop3A_103, %parallel_loop3A_104 : i32
        %parallel_loop3A_106 = arith.index_cast %parallel_loop3A_86 : i32 to index
        %parallel_loop3A_107 = arith.constant 0 : index
        %parallel_loop3A_108 = tpu.vector_load %arg8[%parallel_loop3A_106, %parallel_loop3A_107] {strides = array<i32>} : memref<128x128xf32, #tpu.memory_space<vmem>>, vector<1x16xf32>,
        %parallel_loop3A_109 = vector.shape_cast %parallel_loop3A_108 : vector<1x16xf32> to vector<16xf32>
        %parallel_loop3A_110 = arith.constant 0 : i32
        %parallel_loop3A_111 = arith.addi %parallel_loop3A_105, %parallel_loop3A_110 : i32
        %parallel_loop3A_112 = arith.index_cast %parallel_loop3A_111 : i32 to index
        %parallel_loop3A_113 = tpu.vector_load %arg7[%parallel_loop3A_112] {strides = array<i32>} : memref<25600xf32, #tpu.memory_space<vmem>>, vector<16xf32>,
        %parallel_loop3A_114 = vector.shape_cast %parallel_loop3A_113 : vector<16xf32> to vector<16xf32>
        %parallel_loop3A_115 = arith.addf %parallel_loop3A_109, %parallel_loop3A_114 : vector<16xf32>
        %parallel_loop3A_116 = arith.mulf %parallel_loop3A_115, %parallel_loop3A_115 : vector<16xf32>
        %parallel_loop3A_117 = arith.index_cast %parallel_loop3A_86 : i32 to index
        %parallel_loop3A_118 = arith.constant 16 : index
        %parallel_loop3A_119 = tpu.vector_load %arg8[%parallel_loop3A_117, %parallel_loop3A_118] {strides = array<i32>} : memref<128x128xf32, #tpu.memory_space<vmem>>, vector<1x16xf32>,
        %parallel_loop3A_120 = vector.shape_cast %parallel_loop3A_119 : vector<1x16xf32> to vector<16xf32>
        %parallel_loop3A_121 = arith.constant 16 : i32
        %parallel_loop3A_122 = arith.addi %parallel_loop3A_105, %parallel_loop3A_121 : i32
        %parallel_loop3A_123 = arith.index_cast %parallel_loop3A_122 : i32 to index
        %parallel_loop3A_124 = tpu.vector_load %arg7[%parallel_loop3A_123] {strides = array<i32>} : memref<25600xf32, #tpu.memory_space<vmem>>, vector<16xf32>,
        %parallel_loop3A_125 = vector.shape_cast %parallel_loop3A_124 : vector<16xf32> to vector<16xf32>
        %parallel_loop3A_126 = arith.addf %parallel_loop3A_120, %parallel_loop3A_125 : vector<16xf32>
        %parallel_loop3A_127 = arith.addf %parallel_loop3A_115, %parallel_loop3A_126 : vector<16xf32>
        %parallel_loop3A_128 = arith.mulf %parallel_loop3A_126, %parallel_loop3A_126 : vector<16xf32>
        %parallel_loop3A_129 = arith.addf %parallel_loop3A_116, %parallel_loop3A_128 : vector<16xf32>
        %parallel_loop3A_130 = arith.index_cast %parallel_loop3A_86 : i32 to index
        %parallel_loop3A_131 = arith.constant 32 : index
        %parallel_loop3A_132 = tpu.vector_load %arg8[%parallel_loop3A_130, %parallel_loop3A_131] {strides = array<i32>} : memref<128x128xf32, #tpu.memory_space<vmem>>, vector<1x16xf32>,
        %parallel_loop3A_133 = vector.shape_cast %parallel_loop3A_132 : vector<1x16xf32> to vector<16xf32>
        %parallel_loop3A_134 = arith.constant 32 : i32
        %parallel_loop3A_135 = arith.addi %parallel_loop3A_105, %parallel_loop3A_134 : i32
        %parallel_loop3A_136 = arith.index_cast %parallel_loop3A_135 : i32 to index
        %parallel_loop3A_137 = tpu.vector_load %arg7[%parallel_loop3A_136] {strides = array<i32>} : memref<25600xf32, #tpu.memory_space<vmem>>, vector<16xf32>,
        %parallel_loop3A_138 = vector.shape_cast %parallel_loop3A_137 : vector<16xf32> to vector<16xf32>
        %parallel_loop3A_139 = arith.addf %parallel_loop3A_133, %parallel_loop3A_138 : vector<16xf32>
        %parallel_loop3A_140 = arith.addf %parallel_loop3A_127, %parallel_loop3A_139 : vector<16xf32>
        %parallel_loop3A_141 = arith.mulf %parallel_loop3A_139, %parallel_loop3A_139 : vector<16xf32>
        %parallel_loop3A_142 = arith.addf %parallel_loop3A_129, %parallel_loop3A_141 : vector<16xf32>
        %parallel_loop3A_143 = arith.index_cast %parallel_loop3A_86 : i32 to index
        %parallel_loop3A_144 = arith.constant 48 : index
        %parallel_loop3A_145 = tpu.vector_load %arg8[%parallel_loop3A_143, %parallel_loop3A_144] {strides = array<i32>} : memref<128x128xf32, #tpu.memory_space<vmem>>, vector<1x16xf32>,
        %parallel_loop3A_146 = vector.shape_cast %parallel_loop3A_145 : vector<1x16xf32> to vector<16xf32>
        %parallel_loop3A_147 = arith.constant 48 : i32
        %parallel_loop3A_148 = arith.addi %parallel_loop3A_105, %parallel_loop3A_147 : i32
        %parallel_loop3A_149 = arith.index_cast %parallel_loop3A_148 : i32 to index
        %parallel_loop3A_150 = tpu.vector_load %arg7[%parallel_loop3A_149] {strides = array<i32>} : memref<25600xf32, #tpu.memory_space<vmem>>, vector<16xf32>,
        %parallel_loop3A_151 = vector.shape_cast %parallel_loop3A_150 : vector<16xf32> to vector<16xf32>
        %parallel_loop3A_152 = arith.addf %parallel_loop3A_146, %parallel_loop3A_151 : vector<16xf32>
        %parallel_loop3A_153 = arith.addf %parallel_loop3A_140, %parallel_loop3A_152 : vector<16xf32>
        %parallel_loop3A_154 = arith.mulf %parallel_loop3A_152, %parallel_loop3A_152 : vector<16xf32>
        %parallel_loop3A_155 = arith.addf %parallel_loop3A_142, %parallel_loop3A_154 : vector<16xf32>
        %parallel_loop3A_156 = arith.index_cast %parallel_loop3A_86 : i32 to index
        %parallel_loop3A_157 = arith.constant 64 : index
        %parallel_loop3A_158 = tpu.vector_load %arg8[%parallel_loop3A_156, %parallel_loop3A_157] {strides = array<i32>} : memref<128x128xf32, #tpu.memory_space<vmem>>, vector<1x16xf32>,
        %parallel_loop3A_159 = vector.shape_cast %parallel_loop3A_158 : vector<1x16xf32> to vector<16xf32>
        %parallel_loop3A_160 = arith.constant 64 : i32
        %parallel_loop3A_161 = arith.addi %parallel_loop3A_105, %parallel_loop3A_160 : i32
        %parallel_loop3A_162 = arith.index_cast %parallel_loop3A_161 : i32 to index
        %parallel_loop3A_163 = tpu.vector_load %arg7[%parallel_loop3A_162] {strides = array<i32>} : memref<25600xf32, #tpu.memory_space<vmem>>, vector<16xf32>,
        %parallel_loop3A_164 = vector.shape_cast %parallel_loop3A_163 : vector<16xf32> to vector<16xf32>
        %parallel_loop3A_165 = arith.addf %parallel_loop3A_159, %parallel_loop3A_164 : vector<16xf32>
        %parallel_loop3A_166 = arith.addf %parallel_loop3A_153, %parallel_loop3A_165 : vector<16xf32>
        %parallel_loop3A_167 = arith.mulf %parallel_loop3A_165, %parallel_loop3A_165 : vector<16xf32>
        %parallel_loop3A_168 = arith.addf %parallel_loop3A_155, %parallel_loop3A_167 : vector<16xf32>
        %parallel_loop3A_169 = arith.index_cast %parallel_loop3A_86 : i32 to index
        %parallel_loop3A_170 = arith.constant 80 : index
        %parallel_loop3A_171 = tpu.vector_load %arg8[%parallel_loop3A_169, %parallel_loop3A_170] {strides = array<i32>} : memref<128x128xf32, #tpu.memory_space<vmem>>, vector<1x16xf32>,
        %parallel_loop3A_172 = vector.shape_cast %parallel_loop3A_171 : vector<1x16xf32> to vector<16xf32>
        %parallel_loop3A_173 = arith.constant 80 : i32
        %parallel_loop3A_174 = arith.addi %parallel_loop3A_105, %parallel_loop3A_173 : i32
        %parallel_loop3A_175 = arith.index_cast %parallel_loop3A_174 : i32 to index
        %parallel_loop3A_176 = tpu.vector_load %arg7[%parallel_loop3A_175] {strides = array<i32>} : memref<25600xf32, #tpu.memory_space<vmem>>, vector<16xf32>,
        %parallel_loop3A_177 = vector.shape_cast %parallel_loop3A_176 : vector<16xf32> to vector<16xf32>
        %parallel_loop3A_178 = arith.addf %parallel_loop3A_172, %parallel_loop3A_177 : vector<16xf32>
        %parallel_loop3A_179 = arith.addf %parallel_loop3A_166, %parallel_loop3A_178 : vector<16xf32>
        %parallel_loop3A_180 = arith.mulf %parallel_loop3A_178, %parallel_loop3A_178 : vector<16xf32>
        %parallel_loop3A_181 = arith.addf %parallel_loop3A_168, %parallel_loop3A_180 : vector<16xf32>
        %parallel_loop3A_182 = arith.index_cast %parallel_loop3A_86 : i32 to index
        %parallel_loop3A_183 = arith.constant 96 : index
        %parallel_loop3A_184 = tpu.vector_load %arg8[%parallel_loop3A_182, %parallel_loop3A_183] {strides = array<i32>} : memref<128x128xf32, #tpu.memory_space<vmem>>, vector<1x16xf32>,
        %parallel_loop3A_185 = vector.shape_cast %parallel_loop3A_184 : vector<1x16xf32> to vector<16xf32>
        %parallel_loop3A_186 = arith.constant 96 : i32
        %parallel_loop3A_187 = arith.addi %parallel_loop3A_105, %parallel_loop3A_186 : i32
        %parallel_loop3A_188 = arith.index_cast %parallel_loop3A_187 : i32 to index
        %parallel_loop3A_189 = tpu.vector_load %arg7[%parallel_loop3A_188] {strides = array<i32>} : memref<25600xf32, #tpu.memory_space<vmem>>, vector<16xf32>,
        %parallel_loop3A_190 = vector.shape_cast %parallel_loop3A_189 : vector<16xf32> to vector<16xf32>
        %parallel_loop3A_191 = arith.addf %parallel_loop3A_185, %parallel_loop3A_190 : vector<16xf32>
        %parallel_loop3A_192 = arith.addf %parallel_loop3A_179, %parallel_loop3A_191 : vector<16xf32>
        %parallel_loop3A_193 = arith.mulf %parallel_loop3A_191, %parallel_loop3A_191 : vector<16xf32>
        %parallel_loop3A_194 = arith.addf %parallel_loop3A_181, %parallel_loop3A_193 : vector<16xf32>
        %parallel_loop3A_195 = arith.index_cast %parallel_loop3A_86 : i32 to index
        %parallel_loop3A_196 = arith.constant 112 : index
        %parallel_loop3A_197 = tpu.vector_load %arg8[%parallel_loop3A_195, %parallel_loop3A_196] {strides = array<i32>} : memref<128x128xf32, #tpu.memory_space<vmem>>, vector<1x16xf32>,
        %parallel_loop3A_198 = vector.shape_cast %parallel_loop3A_197 : vector<1x16xf32> to vector<16xf32>
        %parallel_loop3A_199 = arith.constant 112 : i32
        %parallel_loop3A_200 = arith.addi %parallel_loop3A_105, %parallel_loop3A_199 : i32
        %parallel_loop3A_201 = arith.index_cast %parallel_loop3A_200 : i32 to index
        %parallel_loop3A_202 = tpu.vector_load %arg7[%parallel_loop3A_201] {strides = array<i32>} : memref<25600xf32, #tpu.memory_space<vmem>>, vector<16xf32>,
        %parallel_loop3A_203 = vector.shape_cast %parallel_loop3A_202 : vector<16xf32> to vector<16xf32>
        %parallel_loop3A_204 = arith.addf %parallel_loop3A_198, %parallel_loop3A_203 : vector<16xf32>
        %parallel_loop3A_205 = arith.addf %parallel_loop3A_192, %parallel_loop3A_204 : vector<16xf32>
        %parallel_loop3A_206 = arith.mulf %parallel_loop3A_204, %parallel_loop3A_204 : vector<16xf32>
        %parallel_loop3A_207 = arith.addf %parallel_loop3A_194, %parallel_loop3A_206 : vector<16xf32>
        %parallel_loop3A_208 = tpu.iota {dimensions = array<i32: 0>} : vector<16xi32>
        %parallel_loop3A_209 = arith.constant 1 : i32
        %parallel_loop3A_210 = vector.broadcast %parallel_loop3A_209 : i32 to vector<16xi32>
        %parallel_loop3A_211 = arith.xori %parallel_loop3A_208, %parallel_loop3A_210 : vector<16xi32>
        %parallel_loop3A_212 = vector.shape_cast %parallel_loop3A_211 : vector<16xi32> to vector<16x1xi32>
        %parallel_loop3A_213 = vector.shape_cast %parallel_loop3A_212 : vector<16x1xi32> to vector<16xi32>
        %parallel_loop3A_214 = tpu.dynamic_gather %parallel_loop3A_205[%parallel_loop3A_213] in [0] : vector<16xf32>, vector<16xi32> -> vector<16xf32>
        %parallel_loop3A_215 = arith.addf %parallel_loop3A_205, %parallel_loop3A_214 : vector<16xf32>
        %parallel_loop3A_216 = arith.constant 2 : i32
        %parallel_loop3A_217 = vector.broadcast %parallel_loop3A_216 : i32 to vector<16xi32>
        %parallel_loop3A_218 = arith.xori %parallel_loop3A_208, %parallel_loop3A_217 : vector<16xi32>
        %parallel_loop3A_219 = vector.shape_cast %parallel_loop3A_218 : vector<16xi32> to vector<16x1xi32>
        %parallel_loop3A_220 = vector.shape_cast %parallel_loop3A_219 : vector<16x1xi32> to vector<16xi32>
        %parallel_loop3A_221 = tpu.dynamic_gather %parallel_loop3A_215[%parallel_loop3A_220] in [0] : vector<16xf32>, vector<16xi32> -> vector<16xf32>
        %parallel_loop3A_222 = arith.addf %parallel_loop3A_215, %parallel_loop3A_221 : vector<16xf32>
        %parallel_loop3A_223 = arith.constant 4 : i32
        %parallel_loop3A_224 = vector.broadcast %parallel_loop3A_223 : i32 to vector<16xi32>
        %parallel_loop3A_225 = arith.xori %parallel_loop3A_208, %parallel_loop3A_224 : vector<16xi32>
        %parallel_loop3A_226 = vector.shape_cast %parallel_loop3A_225 : vector<16xi32> to vector<16x1xi32>
        %parallel_loop3A_227 = vector.shape_cast %parallel_loop3A_226 : vector<16x1xi32> to vector<16xi32>
        %parallel_loop3A_228 = tpu.dynamic_gather %parallel_loop3A_222[%parallel_loop3A_227] in [0] : vector<16xf32>, vector<16xi32> -> vector<16xf32>
        %parallel_loop3A_229 = arith.addf %parallel_loop3A_222, %parallel_loop3A_228 : vector<16xf32>
        %parallel_loop3A_230 = arith.constant 8 : i32
        %parallel_loop3A_231 = vector.broadcast %parallel_loop3A_230 : i32 to vector<16xi32>
        %parallel_loop3A_232 = arith.xori %parallel_loop3A_208, %parallel_loop3A_231 : vector<16xi32>
        %parallel_loop3A_233 = vector.shape_cast %parallel_loop3A_232 : vector<16xi32> to vector<16x1xi32>
        %parallel_loop3A_234 = vector.shape_cast %parallel_loop3A_233 : vector<16x1xi32> to vector<16xi32>
        %parallel_loop3A_235 = tpu.dynamic_gather %parallel_loop3A_229[%parallel_loop3A_234] in [0] : vector<16xf32>, vector<16xi32> -> vector<16xf32>
        %parallel_loop3A_236 = arith.addf %parallel_loop3A_229, %parallel_loop3A_235 : vector<16xf32>
        %parallel_loop3A_237 = tpu.iota {dimensions = array<i32: 0>} : vector<16xi32>
        %parallel_loop3A_238 = arith.constant 1 : i32
        %parallel_loop3A_239 = vector.broadcast %parallel_loop3A_238 : i32 to vector<16xi32>
        %parallel_loop3A_240 = arith.xori %parallel_loop3A_237, %parallel_loop3A_239 : vector<16xi32>
        %parallel_loop3A_241 = vector.shape_cast %parallel_loop3A_240 : vector<16xi32> to vector<16x1xi32>
        %parallel_loop3A_242 = vector.shape_cast %parallel_loop3A_241 : vector<16x1xi32> to vector<16xi32>
        %parallel_loop3A_243 = tpu.dynamic_gather %parallel_loop3A_207[%parallel_loop3A_242] in [0] : vector<16xf32>, vector<16xi32> -> vector<16xf32>
        %parallel_loop3A_244 = arith.addf %parallel_loop3A_207, %parallel_loop3A_243 : vector<16xf32>
        %parallel_loop3A_245 = arith.constant 2 : i32
        %parallel_loop3A_246 = vector.broadcast %parallel_loop3A_245 : i32 to vector<16xi32>
        %parallel_loop3A_247 = arith.xori %parallel_loop3A_237, %parallel_loop3A_246 : vector<16xi32>
        %parallel_loop3A_248 = vector.shape_cast %parallel_loop3A_247 : vector<16xi32> to vector<16x1xi32>
        %parallel_loop3A_249 = vector.shape_cast %parallel_loop3A_248 : vector<16x1xi32> to vector<16xi32>
        %parallel_loop3A_250 = tpu.dynamic_gather %parallel_loop3A_244[%parallel_loop3A_249] in [0] : vector<16xf32>, vector<16xi32> -> vector<16xf32>
        %parallel_loop3A_251 = arith.addf %parallel_loop3A_244, %parallel_loop3A_250 : vector<16xf32>
        %parallel_loop3A_252 = arith.constant 4 : i32
        %parallel_loop3A_253 = vector.broadcast %parallel_loop3A_252 : i32 to vector<16xi32>
        %parallel_loop3A_254 = arith.xori %parallel_loop3A_237, %parallel_loop3A_253 : vector<16xi32>
        %parallel_loop3A_255 = vector.shape_cast %parallel_loop3A_254 : vector<16xi32> to vector<16x1xi32>
        %parallel_loop3A_256 = vector.shape_cast %parallel_loop3A_255 : vector<16x1xi32> to vector<16xi32>
        %parallel_loop3A_257 = tpu.dynamic_gather %parallel_loop3A_251[%parallel_loop3A_256] in [0] : vector<16xf32>, vector<16xi32> -> vector<16xf32>
        %parallel_loop3A_258 = arith.addf %parallel_loop3A_251, %parallel_loop3A_257 : vector<16xf32>
        %parallel_loop3A_259 = arith.constant 8 : i32
        %parallel_loop3A_260 = vector.broadcast %parallel_loop3A_259 : i32 to vector<16xi32>
        %parallel_loop3A_261 = arith.xori %parallel_loop3A_237, %parallel_loop3A_260 : vector<16xi32>
        %parallel_loop3A_262 = vector.shape_cast %parallel_loop3A_261 : vector<16xi32> to vector<16x1xi32>
        %parallel_loop3A_263 = vector.shape_cast %parallel_loop3A_262 : vector<16x1xi32> to vector<16xi32>
        %parallel_loop3A_264 = tpu.dynamic_gather %parallel_loop3A_258[%parallel_loop3A_263] in [0] : vector<16xf32>, vector<16xi32> -> vector<16xf32>
        %parallel_loop3A_265 = arith.addf %parallel_loop3A_258, %parallel_loop3A_264 : vector<16xf32>
        %parallel_loop3A_266 = arith.constant 7.812500e-03 : f32
        %parallel_loop3A_267 = vector.broadcast %parallel_loop3A_266 : f32 to vector<16xf32>
        %parallel_loop3A_268 = arith.mulf %parallel_loop3A_236, %parallel_loop3A_267 : vector<16xf32>
        %parallel_loop3A_269 = arith.constant 7.812500e-03 : f32
        %parallel_loop3A_270 = vector.broadcast %parallel_loop3A_269 : f32 to vector<16xf32>
        %parallel_loop3A_271 = arith.mulf %parallel_loop3A_265, %parallel_loop3A_270 : vector<16xf32>
        %parallel_loop3A_272 = arith.mulf %parallel_loop3A_268, %parallel_loop3A_268 : vector<16xf32>
        %parallel_loop3A_273 = arith.subf %parallel_loop3A_271, %parallel_loop3A_272 : vector<16xf32>
        %parallel_loop3A_274 = arith.constant 1.000000e-03 : f32
        %parallel_loop3A_275 = vector.broadcast %parallel_loop3A_274 : f32 to vector<16xf32>
        %parallel_loop3A_276 = arith.addf %parallel_loop3A_273, %parallel_loop3A_275 : vector<16xf32>
        %parallel_loop3A_277 = tpu.bitcast %parallel_loop3A_276 : vector<16xf32> -> vector<16xi32>
        %parallel_loop3A_278 = arith.constant 1 : i32
        %parallel_loop3A_279 = vector.broadcast %parallel_loop3A_278 : i32 to vector<16xi32>
        %parallel_loop3A_280 = arith.shrsi %parallel_loop3A_277, %parallel_loop3A_279 : vector<16xi32>
        %parallel_loop3A_281 = arith.constant 1597463007 : i32
        %parallel_loop3A_282 = vector.broadcast %parallel_loop3A_281 : i32 to vector<16xi32>
        %parallel_loop3A_283 = arith.subi %parallel_loop3A_282, %parallel_loop3A_280 : vector<16xi32>
        %parallel_loop3A_284 = tpu.bitcast %parallel_loop3A_283 : vector<16xi32> -> vector<16xf32>
        %parallel_loop3A_285 = arith.constant 5.000000e-01 : f32
        %parallel_loop3A_286 = vector.broadcast %parallel_loop3A_285 : f32 to vector<16xf32>
        %parallel_loop3A_287 = arith.mulf %parallel_loop3A_286, %parallel_loop3A_276 : vector<16xf32>
        %parallel_loop3A_288 = arith.mulf %parallel_loop3A_287, %parallel_loop3A_284 : vector<16xf32>
        %parallel_loop3A_289 = arith.mulf %parallel_loop3A_288, %parallel_loop3A_284 : vector<16xf32>
        %parallel_loop3A_290 = arith.constant 1.500000e+00 : f32
        %parallel_loop3A_291 = vector.broadcast %parallel_loop3A_290 : f32 to vector<16xf32>
        %parallel_loop3A_292 = arith.subf %parallel_loop3A_291, %parallel_loop3A_289 : vector<16xf32>
        %parallel_loop3A_293 = arith.mulf %parallel_loop3A_284, %parallel_loop3A_292 : vector<16xf32>
        %parallel_loop3A_294 = arith.subf %parallel_loop3A_115, %parallel_loop3A_268 : vector<16xf32>
        %parallel_loop3A_295 = arith.mulf %parallel_loop3A_294, %parallel_loop3A_293 : vector<16xf32>
        %parallel_loop3A_296 = arith.index_cast %parallel_loop3A_86 : i32 to index
        %parallel_loop3A_297 = arith.constant 0 : index
        %parallel_loop3A_298 = tpu.vector_load %arg10[%parallel_loop3A_296, %parallel_loop3A_297] {strides = array<i32>} : memref<128x128xf32, #tpu.memory_space<vmem>>, vector<1x16xf32>,
        %parallel_loop3A_299 = vector.shape_cast %parallel_loop3A_298 : vector<1x16xf32> to vector<16xf32>
        %parallel_loop3A_300 = vector.shape_cast %parallel_loop3A_295 : vector<16xf32> to vector<1x16xf32>
        tpu.vector_store %arg10[%parallel_loop3A_296, %parallel_loop3A_297], %parallel_loop3A_300 {strides = array<i32>} : memref<128x128xf32, #tpu.memory_space<vmem>>, vector<1x16xf32>,
        %parallel_loop3A_301 = arith.subf %parallel_loop3A_126, %parallel_loop3A_268 : vector<16xf32>
        %parallel_loop3A_302 = arith.mulf %parallel_loop3A_301, %parallel_loop3A_293 : vector<16xf32>
        %parallel_loop3A_303 = arith.index_cast %parallel_loop3A_86 : i32 to index
        %parallel_loop3A_304 = arith.constant 16 : index
        %parallel_loop3A_305 = tpu.vector_load %arg10[%parallel_loop3A_303, %parallel_loop3A_304] {strides = array<i32>} : memref<128x128xf32, #tpu.memory_space<vmem>>, vector<1x16xf32>,
        %parallel_loop3A_306 = vector.shape_cast %parallel_loop3A_305 : vector<1x16xf32> to vector<16xf32>
        %parallel_loop3A_307 = vector.shape_cast %parallel_loop3A_302 : vector<16xf32> to vector<1x16xf32>
        tpu.vector_store %arg10[%parallel_loop3A_303, %parallel_loop3A_304], %parallel_loop3A_307 {strides = array<i32>} : memref<128x128xf32, #tpu.memory_space<vmem>>, vector<1x16xf32>,
        %parallel_loop3A_308 = arith.subf %parallel_loop3A_139, %parallel_loop3A_268 : vector<16xf32>
        %parallel_loop3A_309 = arith.mulf %parallel_loop3A_308, %parallel_loop3A_293 : vector<16xf32>
        %parallel_loop3A_310 = arith.index_cast %parallel_loop3A_86 : i32 to index
        %parallel_loop3A_311 = arith.constant 32 : index
        %parallel_loop3A_312 = tpu.vector_load %arg10[%parallel_loop3A_310, %parallel_loop3A_311] {strides = array<i32>} : memref<128x128xf32, #tpu.memory_space<vmem>>, vector<1x16xf32>,
        %parallel_loop3A_313 = vector.shape_cast %parallel_loop3A_312 : vector<1x16xf32> to vector<16xf32>
        %parallel_loop3A_314 = vector.shape_cast %parallel_loop3A_309 : vector<16xf32> to vector<1x16xf32>
        tpu.vector_store %arg10[%parallel_loop3A_310, %parallel_loop3A_311], %parallel_loop3A_314 {strides = array<i32>} : memref<128x128xf32, #tpu.memory_space<vmem>>, vector<1x16xf32>,
        %parallel_loop3A_315 = arith.subf %parallel_loop3A_152, %parallel_loop3A_268 : vector<16xf32>
        %parallel_loop3A_316 = arith.mulf %parallel_loop3A_315, %parallel_loop3A_293 : vector<16xf32>
        %parallel_loop3A_317 = arith.index_cast %parallel_loop3A_86 : i32 to index
        %parallel_loop3A_318 = arith.constant 48 : index
        %parallel_loop3A_319 = tpu.vector_load %arg10[%parallel_loop3A_317, %parallel_loop3A_318] {strides = array<i32>} : memref<128x128xf32, #tpu.memory_space<vmem>>, vector<1x16xf32>,
        %parallel_loop3A_320 = vector.shape_cast %parallel_loop3A_319 : vector<1x16xf32> to vector<16xf32>
        %parallel_loop3A_321 = vector.shape_cast %parallel_loop3A_316 : vector<16xf32> to vector<1x16xf32>
        tpu.vector_store %arg10[%parallel_loop3A_317, %parallel_loop3A_318], %parallel_loop3A_321 {strides = array<i32>} : memref<128x128xf32, #tpu.memory_space<vmem>>, vector<1x16xf32>,
        %parallel_loop3A_322 = arith.subf %parallel_loop3A_165, %parallel_loop3A_268 : vector<16xf32>
        %parallel_loop3A_323 = arith.mulf %parallel_loop3A_322, %parallel_loop3A_293 : vector<16xf32>
        %parallel_loop3A_324 = arith.index_cast %parallel_loop3A_86 : i32 to index
        %parallel_loop3A_325 = arith.constant 64 : index
        %parallel_loop3A_326 = tpu.vector_load %arg10[%parallel_loop3A_324, %parallel_loop3A_325] {strides = array<i32>} : memref<128x128xf32, #tpu.memory_space<vmem>>, vector<1x16xf32>,
        %parallel_loop3A_327 = vector.shape_cast %parallel_loop3A_326 : vector<1x16xf32> to vector<16xf32>
        %parallel_loop3A_328 = vector.shape_cast %parallel_loop3A_323 : vector<16xf32> to vector<1x16xf32>
        tpu.vector_store %arg10[%parallel_loop3A_324, %parallel_loop3A_325], %parallel_loop3A_328 {strides = array<i32>} : memref<128x128xf32, #tpu.memory_space<vmem>>, vector<1x16xf32>,
        %parallel_loop3A_329 = arith.subf %parallel_loop3A_178, %parallel_loop3A_268 : vector<16xf32>
        %parallel_loop3A_330 = arith.mulf %parallel_loop3A_329, %parallel_loop3A_293 : vector<16xf32>
        %parallel_loop3A_331 = arith.index_cast %parallel_loop3A_86 : i32 to index
        %parallel_loop3A_332 = arith.constant 80 : index
        %parallel_loop3A_333 = tpu.vector_load %arg10[%parallel_loop3A_331, %parallel_loop3A_332] {strides = array<i32>} : memref<128x128xf32, #tpu.memory_space<vmem>>, vector<1x16xf32>,
        %parallel_loop3A_334 = vector.shape_cast %parallel_loop3A_333 : vector<1x16xf32> to vector<16xf32>
        %parallel_loop3A_335 = vector.shape_cast %parallel_loop3A_330 : vector<16xf32> to vector<1x16xf32>
        tpu.vector_store %arg10[%parallel_loop3A_331, %parallel_loop3A_332], %parallel_loop3A_335 {strides = array<i32>} : memref<128x128xf32, #tpu.memory_space<vmem>>, vector<1x16xf32>,
        %parallel_loop3A_336 = arith.subf %parallel_loop3A_191, %parallel_loop3A_268 : vector<16xf32>
        %parallel_loop3A_337 = arith.mulf %parallel_loop3A_336, %parallel_loop3A_293 : vector<16xf32>
        %parallel_loop3A_338 = arith.index_cast %parallel_loop3A_86 : i32 to index
        %parallel_loop3A_339 = arith.constant 96 : index
        %parallel_loop3A_340 = tpu.vector_load %arg10[%parallel_loop3A_338, %parallel_loop3A_339] {strides = array<i32>} : memref<128x128xf32, #tpu.memory_space<vmem>>, vector<1x16xf32>,
        %parallel_loop3A_341 = vector.shape_cast %parallel_loop3A_340 : vector<1x16xf32> to vector<16xf32>
        %parallel_loop3A_342 = vector.shape_cast %parallel_loop3A_337 : vector<16xf32> to vector<1x16xf32>
        tpu.vector_store %arg10[%parallel_loop3A_338, %parallel_loop3A_339], %parallel_loop3A_342 {strides = array<i32>} : memref<128x128xf32, #tpu.memory_space<vmem>>, vector<1x16xf32>,
        %parallel_loop3A_343 = arith.subf %parallel_loop3A_204, %parallel_loop3A_268 : vector<16xf32>
        %parallel_loop3A_344 = arith.mulf %parallel_loop3A_343, %parallel_loop3A_293 : vector<16xf32>
        %parallel_loop3A_345 = arith.index_cast %parallel_loop3A_86 : i32 to index
        %parallel_loop3A_346 = arith.constant 112 : index
        %parallel_loop3A_347 = tpu.vector_load %arg10[%parallel_loop3A_345, %parallel_loop3A_346] {strides = array<i32>} : memref<128x128xf32, #tpu.memory_space<vmem>>, vector<1x16xf32>,
        %parallel_loop3A_348 = vector.shape_cast %parallel_loop3A_347 : vector<1x16xf32> to vector<16xf32>
        %parallel_loop3A_349 = vector.shape_cast %parallel_loop3A_344 : vector<16xf32> to vector<1x16xf32>
        tpu.vector_store %arg10[%parallel_loop3A_345, %parallel_loop3A_346], %parallel_loop3A_349 {strides = array<i32>} : memref<128x128xf32, #tpu.memory_space<vmem>>, vector<1x16xf32>,
      } {sc.loop_unroll_factor = 4 : i64, sc.parallel_access}
      %dma_start3A_49 = arith.constant 0 : i32
      %dma_start3A_50 = tpu.memref_slice %arg5[%add3A_32, %dma_start3A_49] : memref<204800x128xf32, #tpu.memory_space<hbm>> -> memref<128x128xf32, #tpu.memory_space<hbm>>
      %dma_start3A_51 = arith.constant 0 : i32
      %dma_start3A_52 = tpu.memref_slice %arg5[%add3A_32, %dma_start3A_51] : memref<204800x128xf32, #tpu.memory_space<hbm>> -> memref<128x128xf32, #tpu.memory_space<hbm>>
      tpu.enqueue_dma source(%arg10 : memref<128x128xf32, #tpu.memory_space<vmem>>) target(%dma_start3A_52 : memref<128x128xf32, #tpu.memory_space<hbm>>) target_semaphore(%arg14 : memref<!tpu.dma_semaphore, #tpu.memory_space<semaphore_mem>>)
      %mul3A_53 = arith.constant 2 : i32
      %mul3A_54 = arith.muli %mul3A_53, %scan3A_24 : i32
      %add3A_55 = arith.constant 1 : i32
      %add3A_56 = arith.addi %mul3A_54, %add3A_55 : i32
      %mul3A_57 = arith.constant 128 : i32
      %mul3A_58 = arith.muli %add3A_56, %mul3A_57 : i32
      %add3A_59 = arith.addi %mul3A_2, %mul3A_58 : i32
      %mul3A_60 = arith.constant 128 : i32
      %mul3A_61 = arith.muli %add3A_56, %mul3A_60 : i32
      %dma_wait3A_62 = tpu.memref_slice %arg6[%mul3A_61] : memref<6400xi32, #tpu.memory_space<vmem>> -> memref<128xi32, #tpu.memory_space<vmem>>
      %dma_wait3A_63 = arith.constant 0 : i32
      %dma_wait3A_64 = arith.constant 0 : i32
      %dma_wait3A_65 = tpu.memref_slice %arg2[%dma_wait3A_63, %dma_wait3A_64] : memref<100000x128xf32, #tpu.memory_space<hbm>> -> memref<100000x128xf32, #tpu.memory_space<hbm>>
      tpu.wait_indirect_dma semaphore(%arg13 : memref<!tpu.dma_semaphore, #tpu.memory_space<semaphore_mem>>) src(%dma_wait3A_65 : memref<100000x128xf32, #tpu.memory_space<hbm>>) dst(%arg9 : memref<128x128xf32, #tpu.memory_space<vmem>>)
      %add3A_66 = arith.constant 1 : i32
      %add3A_67 = arith.addi %add3A_56, %add3A_66 : i32
      %lt3A_68 = arith.constant 50 : i32
      %lt3A_69 = arith.cmpi slt, %add3A_67, %lt3A_68 : i32
      %convert_element_type3A_70 = arith.extui %lt3A_69 : i1 to i32
      %cond3A_71 = arith.constant 0 : i32
      %cond3A_72 = arith.cmpi ne, %convert_element_type3A_70, %cond3A_71 : i32
      scf.if %cond3A_72 {
        %add3A_86 = arith.constant 1 : i32
        %add3A_87 = arith.addi %add3A_56, %add3A_86 : i32
        %mul3A_88 = arith.constant 128 : i32
        %mul3A_89 = arith.muli %add3A_87, %mul3A_88 : i32
        %dma_start3A_90 = tpu.memref_slice %arg6[%mul3A_89] : memref<6400xi32, #tpu.memory_space<vmem>> -> memref<128xi32, #tpu.memory_space<vmem>>
        %dma_start3A_91 = arith.constant 0 : i32
        %dma_start3A_92 = arith.constant 0 : i32
        %dma_start3A_93 = tpu.memref_slice %arg2[%dma_start3A_91, %dma_start3A_92] : memref<100000x128xf32, #tpu.memory_space<hbm>> -> memref<100000x128xf32, #tpu.memory_space<hbm>>
        tpu.enqueue_indirect_dma source(%dma_start3A_93 : memref<100000x128xf32, #tpu.memory_space<hbm>>) target(%arg8 : memref<128x128xf32, #tpu.memory_space<vmem>>) offsets(%dma_start3A_90 : memref<128xi32, #tpu.memory_space<vmem>>) semaphore(%arg12 : memref<!tpu.dma_semaphore, #tpu.memory_space<semaphore_mem>>)
      } else {
      }
      %ge3A_73 = arith.constant 1 : i32
      %ge3A_74 = arith.cmpi sge, %scan3A_24, %ge3A_73 : i32
      %convert_element_type3A_75 = arith.extui %ge3A_74 : i1 to i32
      %cond3A_76 = arith.constant 0 : i32
      %cond3A_77 = arith.cmpi ne, %convert_element_type3A_75, %cond3A_76 : i32
      scf.if %cond3A_77 {
        %sub3A = arith.constant 256 : i32
        %sub3A_86 = arith.subi %add3A_59, %sub3A : i32
        %dma_wait3A_87 = arith.constant 0 : i32
        %dma_wait3A_88 = tpu.memref_slice %arg5[%sub3A_86, %dma_wait3A_87] : memref<204800x128xf32, #tpu.memory_space<hbm>> -> memref<128x128xf32, #tpu.memory_space<hbm>>
        %dma_wait3A_89 = arith.constant 0 : i32
        %dma_wait3A_90 = tpu.memref_slice %arg5[%sub3A_86, %dma_wait3A_89] : memref<204800x128xf32, #tpu.memory_space<hbm>> -> memref<128x128xf32, #tpu.memory_space<hbm>>
        tpu.wait_dma2 semaphore(%arg15 : memref<!tpu.dma_semaphore, #tpu.memory_space<semaphore_mem>>) src(%arg11 : memref<128x128xf32, #tpu.memory_space<vmem>>) dst(%dma_wait3A_90 : memref<128x128xf32, #tpu.memory_space<hbm>>)
      } else {
      }
      %parallel_loop3A_78 = arith.constant 0 : i32
      %parallel_loop3A_79 = arith.constant 128 : i32
      %parallel_loop3A_80 = arith.constant 1 : i32
      scf.for %parallel_loop3A_86 = %parallel_loop3A_78 to %parallel_loop3A_79 step %parallel_loop3A_80  : i32 {
        %parallel_loop3A_87 = arith.addi %add3A_59, %parallel_loop3A_86 : i32
        %parallel_loop3A_88 = arith.constant 200 : i32
        %parallel_loop3A_89 = arith.constant 0 : i32
        %parallel_loop3A_90 = arith.cmpi eq, %parallel_loop3A_88, %parallel_loop3A_89 : i32
        %parallel_loop3A_91 = arith.constant 1 : i32
        %parallel_loop3A_92 = arith.select %parallel_loop3A_90, %parallel_loop3A_91, %parallel_loop3A_88 : i32
        %parallel_loop3A_93 = arith.remsi %parallel_loop3A_87, %parallel_loop3A_92 : i32
        %parallel_loop3A_94 = arith.constant 0 : i32
        %parallel_loop3A_95 = arith.cmpi ne, %parallel_loop3A_93, %parallel_loop3A_94 : i32
        %parallel_loop3A_96 = arith.constant 0 : i32
        %parallel_loop3A_97 = arith.cmpi slt, %parallel_loop3A_93, %parallel_loop3A_96 : i32
        %parallel_loop3A_98 = arith.constant 0 : i32
        %parallel_loop3A_99 = arith.cmpi slt, %parallel_loop3A_92, %parallel_loop3A_98 : i32
        %parallel_loop3A_100 = arith.xori %parallel_loop3A_97, %parallel_loop3A_99 : i1
        %parallel_loop3A_101 = arith.andi %parallel_loop3A_100, %parallel_loop3A_95 : i1
        %parallel_loop3A_102 = arith.addi %parallel_loop3A_93, %parallel_loop3A_92 : i32
        %parallel_loop3A_103 = arith.select %parallel_loop3A_101, %parallel_loop3A_102, %parallel_loop3A_93 : i32
        %parallel_loop3A_104 = arith.constant 128 : i32
        %parallel_loop3A_105 = arith.muli %parallel_loop3A_103, %parallel_loop3A_104 : i32
        %parallel_loop3A_106 = arith.index_cast %parallel_loop3A_86 : i32 to index
        %parallel_loop3A_107 = arith.constant 0 : index
        %parallel_loop3A_108 = tpu.vector_load %arg9[%parallel_loop3A_106, %parallel_loop3A_107] {strides = array<i32>} : memref<128x128xf32, #tpu.memory_space<vmem>>, vector<1x16xf32>,
        %parallel_loop3A_109 = vector.shape_cast %parallel_loop3A_108 : vector<1x16xf32> to vector<16xf32>
        %parallel_loop3A_110 = arith.constant 0 : i32
        %parallel_loop3A_111 = arith.addi %parallel_loop3A_105, %parallel_loop3A_110 : i32
        %parallel_loop3A_112 = arith.index_cast %parallel_loop3A_111 : i32 to index
        %parallel_loop3A_113 = tpu.vector_load %arg7[%parallel_loop3A_112] {strides = array<i32>} : memref<25600xf32, #tpu.memory_space<vmem>>, vector<16xf32>,
        %parallel_loop3A_114 = vector.shape_cast %parallel_loop3A_113 : vector<16xf32> to vector<16xf32>
        %parallel_loop3A_115 = arith.addf %parallel_loop3A_109, %parallel_loop3A_114 : vector<16xf32>
        %parallel_loop3A_116 = arith.mulf %parallel_loop3A_115, %parallel_loop3A_115 : vector<16xf32>
        %parallel_loop3A_117 = arith.index_cast %parallel_loop3A_86 : i32 to index
        %parallel_loop3A_118 = arith.constant 16 : index
        %parallel_loop3A_119 = tpu.vector_load %arg9[%parallel_loop3A_117, %parallel_loop3A_118] {strides = array<i32>} : memref<128x128xf32, #tpu.memory_space<vmem>>, vector<1x16xf32>,
        %parallel_loop3A_120 = vector.shape_cast %parallel_loop3A_119 : vector<1x16xf32> to vector<16xf32>
        %parallel_loop3A_121 = arith.constant 16 : i32
        %parallel_loop3A_122 = arith.addi %parallel_loop3A_105, %parallel_loop3A_121 : i32
        %parallel_loop3A_123 = arith.index_cast %parallel_loop3A_122 : i32 to index
        %parallel_loop3A_124 = tpu.vector_load %arg7[%parallel_loop3A_123] {strides = array<i32>} : memref<25600xf32, #tpu.memory_space<vmem>>, vector<16xf32>,
        %parallel_loop3A_125 = vector.shape_cast %parallel_loop3A_124 : vector<16xf32> to vector<16xf32>
        %parallel_loop3A_126 = arith.addf %parallel_loop3A_120, %parallel_loop3A_125 : vector<16xf32>
        %parallel_loop3A_127 = arith.addf %parallel_loop3A_115, %parallel_loop3A_126 : vector<16xf32>
        %parallel_loop3A_128 = arith.mulf %parallel_loop3A_126, %parallel_loop3A_126 : vector<16xf32>
        %parallel_loop3A_129 = arith.addf %parallel_loop3A_116, %parallel_loop3A_128 : vector<16xf32>
        %parallel_loop3A_130 = arith.index_cast %parallel_loop3A_86 : i32 to index
        %parallel_loop3A_131 = arith.constant 32 : index
        %parallel_loop3A_132 = tpu.vector_load %arg9[%parallel_loop3A_130, %parallel_loop3A_131] {strides = array<i32>} : memref<128x128xf32, #tpu.memory_space<vmem>>, vector<1x16xf32>,
        %parallel_loop3A_133 = vector.shape_cast %parallel_loop3A_132 : vector<1x16xf32> to vector<16xf32>
        %parallel_loop3A_134 = arith.constant 32 : i32
        %parallel_loop3A_135 = arith.addi %parallel_loop3A_105, %parallel_loop3A_134 : i32
        %parallel_loop3A_136 = arith.index_cast %parallel_loop3A_135 : i32 to index
        %parallel_loop3A_137 = tpu.vector_load %arg7[%parallel_loop3A_136] {strides = array<i32>} : memref<25600xf32, #tpu.memory_space<vmem>>, vector<16xf32>,
        %parallel_loop3A_138 = vector.shape_cast %parallel_loop3A_137 : vector<16xf32> to vector<16xf32>
        %parallel_loop3A_139 = arith.addf %parallel_loop3A_133, %parallel_loop3A_138 : vector<16xf32>
        %parallel_loop3A_140 = arith.addf %parallel_loop3A_127, %parallel_loop3A_139 : vector<16xf32>
        %parallel_loop3A_141 = arith.mulf %parallel_loop3A_139, %parallel_loop3A_139 : vector<16xf32>
        %parallel_loop3A_142 = arith.addf %parallel_loop3A_129, %parallel_loop3A_141 : vector<16xf32>
        %parallel_loop3A_143 = arith.index_cast %parallel_loop3A_86 : i32 to index
        %parallel_loop3A_144 = arith.constant 48 : index
        %parallel_loop3A_145 = tpu.vector_load %arg9[%parallel_loop3A_143, %parallel_loop3A_144] {strides = array<i32>} : memref<128x128xf32, #tpu.memory_space<vmem>>, vector<1x16xf32>,
        %parallel_loop3A_146 = vector.shape_cast %parallel_loop3A_145 : vector<1x16xf32> to vector<16xf32>
        %parallel_loop3A_147 = arith.constant 48 : i32
        %parallel_loop3A_148 = arith.addi %parallel_loop3A_105, %parallel_loop3A_147 : i32
        %parallel_loop3A_149 = arith.index_cast %parallel_loop3A_148 : i32 to index
        %parallel_loop3A_150 = tpu.vector_load %arg7[%parallel_loop3A_149] {strides = array<i32>} : memref<25600xf32, #tpu.memory_space<vmem>>, vector<16xf32>,
        %parallel_loop3A_151 = vector.shape_cast %parallel_loop3A_150 : vector<16xf32> to vector<16xf32>
        %parallel_loop3A_152 = arith.addf %parallel_loop3A_146, %parallel_loop3A_151 : vector<16xf32>
        %parallel_loop3A_153 = arith.addf %parallel_loop3A_140, %parallel_loop3A_152 : vector<16xf32>
        %parallel_loop3A_154 = arith.mulf %parallel_loop3A_152, %parallel_loop3A_152 : vector<16xf32>
        %parallel_loop3A_155 = arith.addf %parallel_loop3A_142, %parallel_loop3A_154 : vector<16xf32>
        %parallel_loop3A_156 = arith.index_cast %parallel_loop3A_86 : i32 to index
        %parallel_loop3A_157 = arith.constant 64 : index
        %parallel_loop3A_158 = tpu.vector_load %arg9[%parallel_loop3A_156, %parallel_loop3A_157] {strides = array<i32>} : memref<128x128xf32, #tpu.memory_space<vmem>>, vector<1x16xf32>,
        %parallel_loop3A_159 = vector.shape_cast %parallel_loop3A_158 : vector<1x16xf32> to vector<16xf32>
        %parallel_loop3A_160 = arith.constant 64 : i32
        %parallel_loop3A_161 = arith.addi %parallel_loop3A_105, %parallel_loop3A_160 : i32
        %parallel_loop3A_162 = arith.index_cast %parallel_loop3A_161 : i32 to index
        %parallel_loop3A_163 = tpu.vector_load %arg7[%parallel_loop3A_162] {strides = array<i32>} : memref<25600xf32, #tpu.memory_space<vmem>>, vector<16xf32>,
        %parallel_loop3A_164 = vector.shape_cast %parallel_loop3A_163 : vector<16xf32> to vector<16xf32>
        %parallel_loop3A_165 = arith.addf %parallel_loop3A_159, %parallel_loop3A_164 : vector<16xf32>
        %parallel_loop3A_166 = arith.addf %parallel_loop3A_153, %parallel_loop3A_165 : vector<16xf32>
        %parallel_loop3A_167 = arith.mulf %parallel_loop3A_165, %parallel_loop3A_165 : vector<16xf32>
        %parallel_loop3A_168 = arith.addf %parallel_loop3A_155, %parallel_loop3A_167 : vector<16xf32>
        %parallel_loop3A_169 = arith.index_cast %parallel_loop3A_86 : i32 to index
        %parallel_loop3A_170 = arith.constant 80 : index
        %parallel_loop3A_171 = tpu.vector_load %arg9[%parallel_loop3A_169, %parallel_loop3A_170] {strides = array<i32>} : memref<128x128xf32, #tpu.memory_space<vmem>>, vector<1x16xf32>,
        %parallel_loop3A_172 = vector.shape_cast %parallel_loop3A_171 : vector<1x16xf32> to vector<16xf32>
        %parallel_loop3A_173 = arith.constant 80 : i32
        %parallel_loop3A_174 = arith.addi %parallel_loop3A_105, %parallel_loop3A_173 : i32
        %parallel_loop3A_175 = arith.index_cast %parallel_loop3A_174 : i32 to index
        %parallel_loop3A_176 = tpu.vector_load %arg7[%parallel_loop3A_175] {strides = array<i32>} : memref<25600xf32, #tpu.memory_space<vmem>>, vector<16xf32>,
        %parallel_loop3A_177 = vector.shape_cast %parallel_loop3A_176 : vector<16xf32> to vector<16xf32>
        %parallel_loop3A_178 = arith.addf %parallel_loop3A_172, %parallel_loop3A_177 : vector<16xf32>
        %parallel_loop3A_179 = arith.addf %parallel_loop3A_166, %parallel_loop3A_178 : vector<16xf32>
        %parallel_loop3A_180 = arith.mulf %parallel_loop3A_178, %parallel_loop3A_178 : vector<16xf32>
        %parallel_loop3A_181 = arith.addf %parallel_loop3A_168, %parallel_loop3A_180 : vector<16xf32>
        %parallel_loop3A_182 = arith.index_cast %parallel_loop3A_86 : i32 to index
        %parallel_loop3A_183 = arith.constant 96 : index
        %parallel_loop3A_184 = tpu.vector_load %arg9[%parallel_loop3A_182, %parallel_loop3A_183] {strides = array<i32>} : memref<128x128xf32, #tpu.memory_space<vmem>>, vector<1x16xf32>,
        %parallel_loop3A_185 = vector.shape_cast %parallel_loop3A_184 : vector<1x16xf32> to vector<16xf32>
        %parallel_loop3A_186 = arith.constant 96 : i32
        %parallel_loop3A_187 = arith.addi %parallel_loop3A_105, %parallel_loop3A_186 : i32
        %parallel_loop3A_188 = arith.index_cast %parallel_loop3A_187 : i32 to index
        %parallel_loop3A_189 = tpu.vector_load %arg7[%parallel_loop3A_188] {strides = array<i32>} : memref<25600xf32, #tpu.memory_space<vmem>>, vector<16xf32>,
        %parallel_loop3A_190 = vector.shape_cast %parallel_loop3A_189 : vector<16xf32> to vector<16xf32>
        %parallel_loop3A_191 = arith.addf %parallel_loop3A_185, %parallel_loop3A_190 : vector<16xf32>
        %parallel_loop3A_192 = arith.addf %parallel_loop3A_179, %parallel_loop3A_191 : vector<16xf32>
        %parallel_loop3A_193 = arith.mulf %parallel_loop3A_191, %parallel_loop3A_191 : vector<16xf32>
        %parallel_loop3A_194 = arith.addf %parallel_loop3A_181, %parallel_loop3A_193 : vector<16xf32>
        %parallel_loop3A_195 = arith.index_cast %parallel_loop3A_86 : i32 to index
        %parallel_loop3A_196 = arith.constant 112 : index
        %parallel_loop3A_197 = tpu.vector_load %arg9[%parallel_loop3A_195, %parallel_loop3A_196] {strides = array<i32>} : memref<128x128xf32, #tpu.memory_space<vmem>>, vector<1x16xf32>,
        %parallel_loop3A_198 = vector.shape_cast %parallel_loop3A_197 : vector<1x16xf32> to vector<16xf32>
        %parallel_loop3A_199 = arith.constant 112 : i32
        %parallel_loop3A_200 = arith.addi %parallel_loop3A_105, %parallel_loop3A_199 : i32
        %parallel_loop3A_201 = arith.index_cast %parallel_loop3A_200 : i32 to index
        %parallel_loop3A_202 = tpu.vector_load %arg7[%parallel_loop3A_201] {strides = array<i32>} : memref<25600xf32, #tpu.memory_space<vmem>>, vector<16xf32>,
        %parallel_loop3A_203 = vector.shape_cast %parallel_loop3A_202 : vector<16xf32> to vector<16xf32>
        %parallel_loop3A_204 = arith.addf %parallel_loop3A_198, %parallel_loop3A_203 : vector<16xf32>
        %parallel_loop3A_205 = arith.addf %parallel_loop3A_192, %parallel_loop3A_204 : vector<16xf32>
        %parallel_loop3A_206 = arith.mulf %parallel_loop3A_204, %parallel_loop3A_204 : vector<16xf32>
        %parallel_loop3A_207 = arith.addf %parallel_loop3A_194, %parallel_loop3A_206 : vector<16xf32>
        %parallel_loop3A_208 = tpu.iota {dimensions = array<i32: 0>} : vector<16xi32>
        %parallel_loop3A_209 = arith.constant 1 : i32
        %parallel_loop3A_210 = vector.broadcast %parallel_loop3A_209 : i32 to vector<16xi32>
        %parallel_loop3A_211 = arith.xori %parallel_loop3A_208, %parallel_loop3A_210 : vector<16xi32>
        %parallel_loop3A_212 = vector.shape_cast %parallel_loop3A_211 : vector<16xi32> to vector<16x1xi32>
        %parallel_loop3A_213 = vector.shape_cast %parallel_loop3A_212 : vector<16x1xi32> to vector<16xi32>
        %parallel_loop3A_214 = tpu.dynamic_gather %parallel_loop3A_205[%parallel_loop3A_213] in [0] : vector<16xf32>, vector<16xi32> -> vector<16xf32>
        %parallel_loop3A_215 = arith.addf %parallel_loop3A_205, %parallel_loop3A_214 : vector<16xf32>
        %parallel_loop3A_216 = arith.constant 2 : i32
        %parallel_loop3A_217 = vector.broadcast %parallel_loop3A_216 : i32 to vector<16xi32>
        %parallel_loop3A_218 = arith.xori %parallel_loop3A_208, %parallel_loop3A_217 : vector<16xi32>
        %parallel_loop3A_219 = vector.shape_cast %parallel_loop3A_218 : vector<16xi32> to vector<16x1xi32>
        %parallel_loop3A_220 = vector.shape_cast %parallel_loop3A_219 : vector<16x1xi32> to vector<16xi32>
        %parallel_loop3A_221 = tpu.dynamic_gather %parallel_loop3A_215[%parallel_loop3A_220] in [0] : vector<16xf32>, vector<16xi32> -> vector<16xf32>
        %parallel_loop3A_222 = arith.addf %parallel_loop3A_215, %parallel_loop3A_221 : vector<16xf32>
        %parallel_loop3A_223 = arith.constant 4 : i32
        %parallel_loop3A_224 = vector.broadcast %parallel_loop3A_223 : i32 to vector<16xi32>
        %parallel_loop3A_225 = arith.xori %parallel_loop3A_208, %parallel_loop3A_224 : vector<16xi32>
        %parallel_loop3A_226 = vector.shape_cast %parallel_loop3A_225 : vector<16xi32> to vector<16x1xi32>
        %parallel_loop3A_227 = vector.shape_cast %parallel_loop3A_226 : vector<16x1xi32> to vector<16xi32>
        %parallel_loop3A_228 = tpu.dynamic_gather %parallel_loop3A_222[%parallel_loop3A_227] in [0] : vector<16xf32>, vector<16xi32> -> vector<16xf32>
        %parallel_loop3A_229 = arith.addf %parallel_loop3A_222, %parallel_loop3A_228 : vector<16xf32>
        %parallel_loop3A_230 = arith.constant 8 : i32
        %parallel_loop3A_231 = vector.broadcast %parallel_loop3A_230 : i32 to vector<16xi32>
        %parallel_loop3A_232 = arith.xori %parallel_loop3A_208, %parallel_loop3A_231 : vector<16xi32>
        %parallel_loop3A_233 = vector.shape_cast %parallel_loop3A_232 : vector<16xi32> to vector<16x1xi32>
        %parallel_loop3A_234 = vector.shape_cast %parallel_loop3A_233 : vector<16x1xi32> to vector<16xi32>
        %parallel_loop3A_235 = tpu.dynamic_gather %parallel_loop3A_229[%parallel_loop3A_234] in [0] : vector<16xf32>, vector<16xi32> -> vector<16xf32>
        %parallel_loop3A_236 = arith.addf %parallel_loop3A_229, %parallel_loop3A_235 : vector<16xf32>
        %parallel_loop3A_237 = tpu.iota {dimensions = array<i32: 0>} : vector<16xi32>
        %parallel_loop3A_238 = arith.constant 1 : i32
        %parallel_loop3A_239 = vector.broadcast %parallel_loop3A_238 : i32 to vector<16xi32>
        %parallel_loop3A_240 = arith.xori %parallel_loop3A_237, %parallel_loop3A_239 : vector<16xi32>
        %parallel_loop3A_241 = vector.shape_cast %parallel_loop3A_240 : vector<16xi32> to vector<16x1xi32>
        %parallel_loop3A_242 = vector.shape_cast %parallel_loop3A_241 : vector<16x1xi32> to vector<16xi32>
        %parallel_loop3A_243 = tpu.dynamic_gather %parallel_loop3A_207[%parallel_loop3A_242] in [0] : vector<16xf32>, vector<16xi32> -> vector<16xf32>
        %parallel_loop3A_244 = arith.addf %parallel_loop3A_207, %parallel_loop3A_243 : vector<16xf32>
        %parallel_loop3A_245 = arith.constant 2 : i32
        %parallel_loop3A_246 = vector.broadcast %parallel_loop3A_245 : i32 to vector<16xi32>
        %parallel_loop3A_247 = arith.xori %parallel_loop3A_237, %parallel_loop3A_246 : vector<16xi32>
        %parallel_loop3A_248 = vector.shape_cast %parallel_loop3A_247 : vector<16xi32> to vector<16x1xi32>
        %parallel_loop3A_249 = vector.shape_cast %parallel_loop3A_248 : vector<16x1xi32> to vector<16xi32>
        %parallel_loop3A_250 = tpu.dynamic_gather %parallel_loop3A_244[%parallel_loop3A_249] in [0] : vector<16xf32>, vector<16xi32> -> vector<16xf32>
        %parallel_loop3A_251 = arith.addf %parallel_loop3A_244, %parallel_loop3A_250 : vector<16xf32>
        %parallel_loop3A_252 = arith.constant 4 : i32
        %parallel_loop3A_253 = vector.broadcast %parallel_loop3A_252 : i32 to vector<16xi32>
        %parallel_loop3A_254 = arith.xori %parallel_loop3A_237, %parallel_loop3A_253 : vector<16xi32>
        %parallel_loop3A_255 = vector.shape_cast %parallel_loop3A_254 : vector<16xi32> to vector<16x1xi32>
        %parallel_loop3A_256 = vector.shape_cast %parallel_loop3A_255 : vector<16x1xi32> to vector<16xi32>
        %parallel_loop3A_257 = tpu.dynamic_gather %parallel_loop3A_251[%parallel_loop3A_256] in [0] : vector<16xf32>, vector<16xi32> -> vector<16xf32>
        %parallel_loop3A_258 = arith.addf %parallel_loop3A_251, %parallel_loop3A_257 : vector<16xf32>
        %parallel_loop3A_259 = arith.constant 8 : i32
        %parallel_loop3A_260 = vector.broadcast %parallel_loop3A_259 : i32 to vector<16xi32>
        %parallel_loop3A_261 = arith.xori %parallel_loop3A_237, %parallel_loop3A_260 : vector<16xi32>
        %parallel_loop3A_262 = vector.shape_cast %parallel_loop3A_261 : vector<16xi32> to vector<16x1xi32>
        %parallel_loop3A_263 = vector.shape_cast %parallel_loop3A_262 : vector<16x1xi32> to vector<16xi32>
        %parallel_loop3A_264 = tpu.dynamic_gather %parallel_loop3A_258[%parallel_loop3A_263] in [0] : vector<16xf32>, vector<16xi32> -> vector<16xf32>
        %parallel_loop3A_265 = arith.addf %parallel_loop3A_258, %parallel_loop3A_264 : vector<16xf32>
        %parallel_loop3A_266 = arith.constant 7.812500e-03 : f32
        %parallel_loop3A_267 = vector.broadcast %parallel_loop3A_266 : f32 to vector<16xf32>
        %parallel_loop3A_268 = arith.mulf %parallel_loop3A_236, %parallel_loop3A_267 : vector<16xf32>
        %parallel_loop3A_269 = arith.constant 7.812500e-03 : f32
        %parallel_loop3A_270 = vector.broadcast %parallel_loop3A_269 : f32 to vector<16xf32>
        %parallel_loop3A_271 = arith.mulf %parallel_loop3A_265, %parallel_loop3A_270 : vector<16xf32>
        %parallel_loop3A_272 = arith.mulf %parallel_loop3A_268, %parallel_loop3A_268 : vector<16xf32>
        %parallel_loop3A_273 = arith.subf %parallel_loop3A_271, %parallel_loop3A_272 : vector<16xf32>
        %parallel_loop3A_274 = arith.constant 1.000000e-03 : f32
        %parallel_loop3A_275 = vector.broadcast %parallel_loop3A_274 : f32 to vector<16xf32>
        %parallel_loop3A_276 = arith.addf %parallel_loop3A_273, %parallel_loop3A_275 : vector<16xf32>
        %parallel_loop3A_277 = tpu.bitcast %parallel_loop3A_276 : vector<16xf32> -> vector<16xi32>
        %parallel_loop3A_278 = arith.constant 1 : i32
        %parallel_loop3A_279 = vector.broadcast %parallel_loop3A_278 : i32 to vector<16xi32>
        %parallel_loop3A_280 = arith.shrsi %parallel_loop3A_277, %parallel_loop3A_279 : vector<16xi32>
        %parallel_loop3A_281 = arith.constant 1597463007 : i32
        %parallel_loop3A_282 = vector.broadcast %parallel_loop3A_281 : i32 to vector<16xi32>
        %parallel_loop3A_283 = arith.subi %parallel_loop3A_282, %parallel_loop3A_280 : vector<16xi32>
        %parallel_loop3A_284 = tpu.bitcast %parallel_loop3A_283 : vector<16xi32> -> vector<16xf32>
        %parallel_loop3A_285 = arith.constant 5.000000e-01 : f32
        %parallel_loop3A_286 = vector.broadcast %parallel_loop3A_285 : f32 to vector<16xf32>
        %parallel_loop3A_287 = arith.mulf %parallel_loop3A_286, %parallel_loop3A_276 : vector<16xf32>
        %parallel_loop3A_288 = arith.mulf %parallel_loop3A_287, %parallel_loop3A_284 : vector<16xf32>
        %parallel_loop3A_289 = arith.mulf %parallel_loop3A_288, %parallel_loop3A_284 : vector<16xf32>
        %parallel_loop3A_290 = arith.constant 1.500000e+00 : f32
        %parallel_loop3A_291 = vector.broadcast %parallel_loop3A_290 : f32 to vector<16xf32>
        %parallel_loop3A_292 = arith.subf %parallel_loop3A_291, %parallel_loop3A_289 : vector<16xf32>
        %parallel_loop3A_293 = arith.mulf %parallel_loop3A_284, %parallel_loop3A_292 : vector<16xf32>
        %parallel_loop3A_294 = arith.subf %parallel_loop3A_115, %parallel_loop3A_268 : vector<16xf32>
        %parallel_loop3A_295 = arith.mulf %parallel_loop3A_294, %parallel_loop3A_293 : vector<16xf32>
        %parallel_loop3A_296 = arith.index_cast %parallel_loop3A_86 : i32 to index
        %parallel_loop3A_297 = arith.constant 0 : index
        %parallel_loop3A_298 = tpu.vector_load %arg11[%parallel_loop3A_296, %parallel_loop3A_297] {strides = array<i32>} : memref<128x128xf32, #tpu.memory_space<vmem>>, vector<1x16xf32>,
        %parallel_loop3A_299 = vector.shape_cast %parallel_loop3A_298 : vector<1x16xf32> to vector<16xf32>
        %parallel_loop3A_300 = vector.shape_cast %parallel_loop3A_295 : vector<16xf32> to vector<1x16xf32>
        tpu.vector_store %arg11[%parallel_loop3A_296, %parallel_loop3A_297], %parallel_loop3A_300 {strides = array<i32>} : memref<128x128xf32, #tpu.memory_space<vmem>>, vector<1x16xf32>,
        %parallel_loop3A_301 = arith.subf %parallel_loop3A_126, %parallel_loop3A_268 : vector<16xf32>
        %parallel_loop3A_302 = arith.mulf %parallel_loop3A_301, %parallel_loop3A_293 : vector<16xf32>
        %parallel_loop3A_303 = arith.index_cast %parallel_loop3A_86 : i32 to index
        %parallel_loop3A_304 = arith.constant 16 : index
        %parallel_loop3A_305 = tpu.vector_load %arg11[%parallel_loop3A_303, %parallel_loop3A_304] {strides = array<i32>} : memref<128x128xf32, #tpu.memory_space<vmem>>, vector<1x16xf32>,
        %parallel_loop3A_306 = vector.shape_cast %parallel_loop3A_305 : vector<1x16xf32> to vector<16xf32>
        %parallel_loop3A_307 = vector.shape_cast %parallel_loop3A_302 : vector<16xf32> to vector<1x16xf32>
        tpu.vector_store %arg11[%parallel_loop3A_303, %parallel_loop3A_304], %parallel_loop3A_307 {strides = array<i32>} : memref<128x128xf32, #tpu.memory_space<vmem>>, vector<1x16xf32>,
        %parallel_loop3A_308 = arith.subf %parallel_loop3A_139, %parallel_loop3A_268 : vector<16xf32>
        %parallel_loop3A_309 = arith.mulf %parallel_loop3A_308, %parallel_loop3A_293 : vector<16xf32>
        %parallel_loop3A_310 = arith.index_cast %parallel_loop3A_86 : i32 to index
        %parallel_loop3A_311 = arith.constant 32 : index
        %parallel_loop3A_312 = tpu.vector_load %arg11[%parallel_loop3A_310, %parallel_loop3A_311] {strides = array<i32>} : memref<128x128xf32, #tpu.memory_space<vmem>>, vector<1x16xf32>,
        %parallel_loop3A_313 = vector.shape_cast %parallel_loop3A_312 : vector<1x16xf32> to vector<16xf32>
        %parallel_loop3A_314 = vector.shape_cast %parallel_loop3A_309 : vector<16xf32> to vector<1x16xf32>
        tpu.vector_store %arg11[%parallel_loop3A_310, %parallel_loop3A_311], %parallel_loop3A_314 {strides = array<i32>} : memref<128x128xf32, #tpu.memory_space<vmem>>, vector<1x16xf32>,
        %parallel_loop3A_315 = arith.subf %parallel_loop3A_152, %parallel_loop3A_268 : vector<16xf32>
        %parallel_loop3A_316 = arith.mulf %parallel_loop3A_315, %parallel_loop3A_293 : vector<16xf32>
        %parallel_loop3A_317 = arith.index_cast %parallel_loop3A_86 : i32 to index
        %parallel_loop3A_318 = arith.constant 48 : index
        %parallel_loop3A_319 = tpu.vector_load %arg11[%parallel_loop3A_317, %parallel_loop3A_318] {strides = array<i32>} : memref<128x128xf32, #tpu.memory_space<vmem>>, vector<1x16xf32>,
        %parallel_loop3A_320 = vector.shape_cast %parallel_loop3A_319 : vector<1x16xf32> to vector<16xf32>
        %parallel_loop3A_321 = vector.shape_cast %parallel_loop3A_316 : vector<16xf32> to vector<1x16xf32>
        tpu.vector_store %arg11[%parallel_loop3A_317, %parallel_loop3A_318], %parallel_loop3A_321 {strides = array<i32>} : memref<128x128xf32, #tpu.memory_space<vmem>>, vector<1x16xf32>,
        %parallel_loop3A_322 = arith.subf %parallel_loop3A_165, %parallel_loop3A_268 : vector<16xf32>
        %parallel_loop3A_323 = arith.mulf %parallel_loop3A_322, %parallel_loop3A_293 : vector<16xf32>
        %parallel_loop3A_324 = arith.index_cast %parallel_loop3A_86 : i32 to index
        %parallel_loop3A_325 = arith.constant 64 : index
        %parallel_loop3A_326 = tpu.vector_load %arg11[%parallel_loop3A_324, %parallel_loop3A_325] {strides = array<i32>} : memref<128x128xf32, #tpu.memory_space<vmem>>, vector<1x16xf32>,
        %parallel_loop3A_327 = vector.shape_cast %parallel_loop3A_326 : vector<1x16xf32> to vector<16xf32>
        %parallel_loop3A_328 = vector.shape_cast %parallel_loop3A_323 : vector<16xf32> to vector<1x16xf32>
        tpu.vector_store %arg11[%parallel_loop3A_324, %parallel_loop3A_325], %parallel_loop3A_328 {strides = array<i32>} : memref<128x128xf32, #tpu.memory_space<vmem>>, vector<1x16xf32>,
        %parallel_loop3A_329 = arith.subf %parallel_loop3A_178, %parallel_loop3A_268 : vector<16xf32>
        %parallel_loop3A_330 = arith.mulf %parallel_loop3A_329, %parallel_loop3A_293 : vector<16xf32>
        %parallel_loop3A_331 = arith.index_cast %parallel_loop3A_86 : i32 to index
        %parallel_loop3A_332 = arith.constant 80 : index
        %parallel_loop3A_333 = tpu.vector_load %arg11[%parallel_loop3A_331, %parallel_loop3A_332] {strides = array<i32>} : memref<128x128xf32, #tpu.memory_space<vmem>>, vector<1x16xf32>,
        %parallel_loop3A_334 = vector.shape_cast %parallel_loop3A_333 : vector<1x16xf32> to vector<16xf32>
        %parallel_loop3A_335 = vector.shape_cast %parallel_loop3A_330 : vector<16xf32> to vector<1x16xf32>
        tpu.vector_store %arg11[%parallel_loop3A_331, %parallel_loop3A_332], %parallel_loop3A_335 {strides = array<i32>} : memref<128x128xf32, #tpu.memory_space<vmem>>, vector<1x16xf32>,
        %parallel_loop3A_336 = arith.subf %parallel_loop3A_191, %parallel_loop3A_268 : vector<16xf32>
        %parallel_loop3A_337 = arith.mulf %parallel_loop3A_336, %parallel_loop3A_293 : vector<16xf32>
        %parallel_loop3A_338 = arith.index_cast %parallel_loop3A_86 : i32 to index
        %parallel_loop3A_339 = arith.constant 96 : index
        %parallel_loop3A_340 = tpu.vector_load %arg11[%parallel_loop3A_338, %parallel_loop3A_339] {strides = array<i32>} : memref<128x128xf32, #tpu.memory_space<vmem>>, vector<1x16xf32>,
        %parallel_loop3A_341 = vector.shape_cast %parallel_loop3A_340 : vector<1x16xf32> to vector<16xf32>
        %parallel_loop3A_342 = vector.shape_cast %parallel_loop3A_337 : vector<16xf32> to vector<1x16xf32>
        tpu.vector_store %arg11[%parallel_loop3A_338, %parallel_loop3A_339], %parallel_loop3A_342 {strides = array<i32>} : memref<128x128xf32, #tpu.memory_space<vmem>>, vector<1x16xf32>,
        %parallel_loop3A_343 = arith.subf %parallel_loop3A_204, %parallel_loop3A_268 : vector<16xf32>
        %parallel_loop3A_344 = arith.mulf %parallel_loop3A_343, %parallel_loop3A_293 : vector<16xf32>
        %parallel_loop3A_345 = arith.index_cast %parallel_loop3A_86 : i32 to index
        %parallel_loop3A_346 = arith.constant 112 : index
        %parallel_loop3A_347 = tpu.vector_load %arg11[%parallel_loop3A_345, %parallel_loop3A_346] {strides = array<i32>} : memref<128x128xf32, #tpu.memory_space<vmem>>, vector<1x16xf32>,
        %parallel_loop3A_348 = vector.shape_cast %parallel_loop3A_347 : vector<1x16xf32> to vector<16xf32>
        %parallel_loop3A_349 = vector.shape_cast %parallel_loop3A_344 : vector<16xf32> to vector<1x16xf32>
        tpu.vector_store %arg11[%parallel_loop3A_345, %parallel_loop3A_346], %parallel_loop3A_349 {strides = array<i32>} : memref<128x128xf32, #tpu.memory_space<vmem>>, vector<1x16xf32>,
      } {sc.loop_unroll_factor = 4 : i64, sc.parallel_access}
      %dma_start3A_81 = arith.constant 0 : i32
      %dma_start3A_82 = tpu.memref_slice %arg5[%add3A_59, %dma_start3A_81] : memref<204800x128xf32, #tpu.memory_space<hbm>> -> memref<128x128xf32, #tpu.memory_space<hbm>>
      %dma_start3A_83 = arith.constant 0 : i32
      %dma_start3A_84 = tpu.memref_slice %arg5[%add3A_59, %dma_start3A_83] : memref<204800x128xf32, #tpu.memory_space<hbm>> -> memref<128x128xf32, #tpu.memory_space<hbm>>
      tpu.enqueue_dma source(%arg11 : memref<128x128xf32, #tpu.memory_space<vmem>>) target(%dma_start3A_84 : memref<128x128xf32, #tpu.memory_space<hbm>>) target_semaphore(%arg15 : memref<!tpu.dma_semaphore, #tpu.memory_space<semaphore_mem>>)
      %scan3A_85 = arith.constant 0 : i32
      scf.yield %scan3A_85 : i32
    }
    %scan3A_12 = arith.constant 25 : i32
    %add3A_13 = arith.constant 6144 : i32
    %add3A_14 = arith.addi %mul3A_2, %add3A_13 : i32
    %dma_wait3A = arith.constant 0 : i32
    %dma_wait3A_15 = tpu.memref_slice %arg5[%add3A_14, %dma_wait3A] : memref<204800x128xf32, #tpu.memory_space<hbm>> -> memref<128x128xf32, #tpu.memory_space<hbm>>
    %dma_wait3A_16 = arith.constant 0 : i32
    %dma_wait3A_17 = tpu.memref_slice %arg5[%add3A_14, %dma_wait3A_16] : memref<204800x128xf32, #tpu.memory_space<hbm>> -> memref<128x128xf32, #tpu.memory_space<hbm>>
    tpu.wait_dma2 semaphore(%arg14 : memref<!tpu.dma_semaphore, #tpu.memory_space<semaphore_mem>>) src(%arg10 : memref<128x128xf32, #tpu.memory_space<vmem>>) dst(%dma_wait3A_17 : memref<128x128xf32, #tpu.memory_space<hbm>>)
    %add3A_18 = arith.constant 6272 : i32
    %add3A_19 = arith.addi %mul3A_2, %add3A_18 : i32
    %dma_wait3A_20 = arith.constant 0 : i32
    %dma_wait3A_21 = tpu.memref_slice %arg5[%add3A_19, %dma_wait3A_20] : memref<204800x128xf32, #tpu.memory_space<hbm>> -> memref<128x128xf32, #tpu.memory_space<hbm>>
    %dma_wait3A_22 = arith.constant 0 : i32
    %dma_wait3A_23 = tpu.memref_slice %arg5[%add3A_19, %dma_wait3A_22] : memref<204800x128xf32, #tpu.memory_space<hbm>> -> memref<128x128xf32, #tpu.memory_space<hbm>>
    tpu.wait_dma2 semaphore(%arg15 : memref<!tpu.dma_semaphore, #tpu.memory_space<semaphore_mem>>) src(%arg11 : memref<128x128xf32, #tpu.memory_space<vmem>>) dst(%dma_wait3A_23 : memref<128x128xf32, #tpu.memory_space<hbm>>)
    return
  }
}

</mosaic_0001>

<sc_bundles>
// kernel: _sc_call.3.cloned.1.call-start
scs
__scs_entry_jumppad:
0x0: {  	(pc) =	sbr.rel $0x88, $3  }
0x1: {  	(tag) =	ssettag $0x0;
	lr =	simm.s32 $0x1  }
0x2: {  	[smem:$0x3F9E] =	sst lr;
	_ =	strace $0xD0000000  }
0x3: {  	_ = 	snop  }
0x4: {  	_ = 	snop  }
0x5: {  	_ = 	snop  }
0x6: {  	_ = 	snop  }
0x7: {  	_ = 	snop  }
__scs_overlays_trampoline_lowered:
0x8: {  	[smem:$0x3FAD] =	sst s0  }
0x9: {  	[smem:$0x3FAE] =	sst s1  }
0xa: {  	[smem:$0x3FAF] =	sst s2  }
0xb: {  	[smem:$0x3FB0] =	sst s3  }
0xc: {  	[smem:$0x3FB1] =	sst s4  }
0xd: {  	[smem:$0x3FB2] =	sst s5  }
0xe: {  	[smem:$0x3FB3] =	sst s6  }
0xf: {  	[smem:$0x3FB4] =	sst s7  }
0x10: {  	[smem:$0x3FB5] =	sst s8  }
0x11: {  	[smem:$0x3FB6] =	sst s9;
	s0 =	simm.s32 @!p0 $0x0  }
0x12: {  	s1 =	sld [smem:$0x3F9C];
	s0 =	simm.s32 @p0 $0x1  }
0x13: {  	[smem:$0x3FB7] =	sst s0;
	s0 =	simm.s32 @!p1 $0x0  }
0x14: {  	s2 =	sld [smem:$0x3F9B];
	s0 =	simm.s32 @p1 $0x1  }
0x15: {  	[smem:$0x3FB8] =	sst s0;
	s0 =	simm.s32 @!p2 $0x0  }
0x16: {  	s3 =	sld [smem:$0x3FDB];
	s0 =	simm.s32 @p2 $0x1  }
0x17: {  	s4 =	simm.s32 $0x1BF5;
	[smem:$0x3FBA] =	sst s0  }
0x18: {  	s0 =	sld [smem:$0x3F9D];
	_ =	swait.ge [sflag:s4], $0x0  }
0x19: {  	s7 =	sld [smem:$0x3F9E]  }
0x1a: {  	s8 =	sadd.s32 $0xFFFFE003, lr  }
0x1b: {  	s9 =	sadd.s32 $0xFFFFFEF7, lr;
	s5 =	simm.s32 $0xFFFFFFFF;
	p2 =	slt.u32 s8, $0xFFFFF086  }
0x1c: {  	p1 =	slt.u32 s9, $0xF7A;
	s5 =	simm.s32 @!p2 $0x0  }
0x1d: {  	s5 =	simm.s32 @p1 $0x1;
	p0 =	seq.s32 s7, s2  }
0x1e: {  	s7 =	smul.u32 @!p0 $0xF7A, s2;
	p2 =	seq.s32 @!p0 s5, $0x0  }
0x1f: {  	s9 =	smul.u32 $0xF7A, s1;
	s8 =	simm.s32 @!p0 $0x1BF5;
	p2 =	por !p2, p0  }
0x20: {  	[sflag:s8] =	ssyncset.s32 @!p0 $0xFFFFF086;
	s6 =	sadd.s32 @!p0 s3, s7;
	s7 =	simm.s32 @!p0 $0x108  }
0x21: {  	s3 =	sadd.s32 s3, s9;
	s6 =	sadd.s32 @!p0 $0x88, s6;
	s7 =	simm.s32 @p2 $0x1082  }
0x22: {  	[simem:s7], [sflag:s8] =	dma.local @!p0 [hbm:s6], $0xF7A  }
0x23: {  	s9 =	sor.u32 $0xD0000000, s2;
	s6 =	simm.s32 $0x108;
	_ =	swait.ge @!p0 [sflag:s8], $0x0  }
0x24: {  	s3 =	sadd.s32 $0x88, s3;
	s6 =	simm.s32 @!p1 $0x1082;
	[sflag:s4] =	ssyncset.s32 $0xFFFFF086  }
0x25: {  	[simem:s6], [sflag:s4] =	dma.local [hbm:s3], $0xF7A  }
0x26: {  	[smem:$0x3F9E] =	sst s1;
	(tag) =	ssettag s2;
	_ =	strace s9  }
0x27: {  	s1 =	sld [smem:$0x3FAE]  }
0x28: {  	s2 =	sld [smem:$0x3FAF]  }
0x29: {  	s4 =	sld [smem:$0x3FB1]  }
0x2a: {  	p0 =	seq.s32 s5, $0x0;
	s5 =	sld [smem:$0x3FB2]  }
0x2b: {  	s6 =	sld [smem:$0x3FB3]  }
0x2c: {  	s7 =	sld [smem:$0x3FB4]  }
0x2d: {  	s3 =	simm.s32 $0x108;
	s8 =	sld [smem:$0x3FB5]  }
0x2e: {  	s3 =	simm.s32 @!p0 $0x1082;
	s9 =	sld [smem:$0x3FB6]  }
0x2f: {  	lr =	sadd.s32 s0, s3;
	s0 =	sld [smem:$0x3FAD]  }
0x30: {  	s3 =	sld [smem:$0x3FB0]  }
0x31: {  	[smem:$0x3FB9] =	sst s10  }
0x32: {  	s10 =	sld [smem:$0x3FB7];
	_ =	sdelay $0x3  }
0x33: {  	p0 =	seq.s32 s10, $0x1;
	s10 =	sld [smem:$0x3FB9];
	_ =	sdelay $0x3  }
0x34: {  	[smem:$0x3FB9] =	sst s10  }
0x35: {  	s10 =	sld [smem:$0x3FB8];
	_ =	sdelay $0x3  }
0x36: {  	p1 =	seq.s32 s10, $0x1;
	s10 =	sld [smem:$0x3FB9];
	_ =	sdelay $0x3  }
0x37: {  	[smem:$0x3FB9] =	sst s10  }
0x38: {  	s10 =	sld [smem:$0x3FBA]  }
0x39: {  	_ = 	snop;
	(pc) =	sbr.ind lr, $3  }
0x3a: {  	_ = 	snop  }
0x3b: {  	_ = 	snop  }
0x3c: {  	p2 =	seq.s32 s10, $0x1;
	s10 =	sld [smem:$0x3FB9]  }
0x3d: {  	_ =	shalt  }
0x3e: {  	_ =	shalt  }
0x3f: {  	_ =	shalt  }
0x40: {  	_ =	shalt  }
0x41: {  	_ =	shalt  }
0x42: {  	_ =	shalt  }
0x43: {  	_ =	shalt  }
0x44: {  	_ =	shalt  }
0x45: {  	_ =	shalt  }
0x46: {  	_ =	shalt  }
0x47: {  	_ =	shalt  }
0x48: {  	_ =	shalt  }
0x49: {  	_ =	shalt  }
0x4a: {  	_ =	shalt  }
0x4b: {  	_ =	shalt  }
0x4c: {  	_ =	shalt  }
0x4d: {  	_ =	shalt  }
0x4e: {  	_ =	shalt  }
0x4f: {  	_ =	shalt  }
0x50: {  	_ =	shalt  }
0x51: {  	_ =	shalt  }
0x52: {  	_ =	shalt  }
0x53: {  	_ =	shalt  }
0x54: {  	_ =	shalt  }
0x55: {  	_ =	shalt  }
0x56: {  	_ =	shalt  }
0x57: {  	_ =	shalt  }
0x58: {  	_ =	shalt  }
0x59: {  	_ =	shalt  }
0x5a: {  	_ =	shalt  }
0x5b: {  	_ =	shalt  }
0x5c: {  	_ =	shalt  }
0x5d: {  	_ =	shalt  }
0x5e: {  	_ =	shalt  }
0x5f: {  	_ =	shalt  }
0x60: {  	_ =	shalt  }
0x61: {  	_ =	shalt  }
0x62: {  	_ =	shalt  }
0x63: {  	_ =	shalt  }
0x64: {  	_ =	shalt  }
0x65: {  	_ =	shalt  }
0x66: {  	_ =	shalt  }
0x67: {  	_ =	shalt  }
0x68: {  	_ =	shalt  }
0x69: {  	_ =	shalt  }
0x6a: {  	_ =	shalt  }
0x6b: {  	_ =	shalt  }
0x6c: {  	_ =	shalt  }
0x6d: {  	_ =	shalt  }
0x6e: {  	_ =	shalt  }
0x6f: {  	_ =	shalt  }
0x70: {  	_ =	shalt  }
0x71: {  	_ =	shalt  }
0x72: {  	_ =	shalt  }
0x73: {  	_ =	shalt  }
0x74: {  	_ =	shalt  }
0x75: {  	_ =	shalt  }
0x76: {  	_ =	shalt  }
0x77: {  	_ =	shalt  }
0x78: {  	_ =	shalt  }
0x79: {  	_ =	shalt  }
0x7a: {  	_ =	shalt  }
0x7b: {  	_ =	shalt  }
0x7c: {  	_ =	shalt  }
0x7d: {  	_ =	shalt  }
0x7e: {  	_ =	shalt  }
0x7f: {  	_ =	shalt  }
0x80: {  	_ =	shalt  }
0x81: {  	_ =	shalt  }
0x82: {  	_ =	shalt  }
0x83: {  	_ =	shalt  }
0x84: {  	_ =	shalt  }
0x85: {  	_ =	shalt  }
0x86: {  	_ =	shalt  }
0x87: {  	_ =	shalt  }
.Lfunc_end0:
.L_simem_size_0:
called_computation_lowered:
.L_overlay_start_0:
0x88: {  	s2 =	sld [smem:$0x3FD9]  }
0x89: {  	s3 =	sld [smem:$0x3FFE];
	_ =	sdelay $0x1  }
0x8a: {  	s1 =	srdreg.scid  }
0x8b: {  	s0 =	sand.u32 $0x1, s1  }
0x8c: {  	s18 =	sshll.u32 s0, $0xA;
	s2 =	sadd.s32 s3, s2  }
0x8d: {  	s2 =	sadd.s32 s2, s18  }
0x8e: {  	[smem:$0x3FC5] =	sst s2  }
0x8f: {  	_ = 	snop  }
0x90: {  	s2 =	sld [smem:$0x3FC9]  }
0x91: {  	s19 =	sld [smem:$0x3FC8]  }
0x92: {  	s4 =	sld [smem:$0x3FC7]  }
0x93: {  	s5 =	sld [smem:$0x3FD0];
	(tm) =	ssettm $0x1  }
0x94: {  	s6 =	sld [smem:$0x3FFB];
	_ =	sdelay $0x3  }
0x95: {  	_ =	strace s6  }
0x96: {  	s6 =	sld [smem:$0x3FFC];
	_ =	sdelay $0x3  }
0x97: {  	_ =	strace s6  }
0x98: {  	s6 =	sld [smem:$0x3FFD];
	_ =	sdelay $0x3  }
0x99: {  	_ =	strace s6  }
0x9a: {  	_ =	strace $0x8FFFFFFF  }
0x9b: {  	s20 =	sld [smem:$0x3FDB];
	_ =	sdelay $0x1  }
0x9c: {  	s7 =	simm.s32 $_scs_section_size  }
0x9d: {  	s8 =	simm.s32 $_size__tile_overlayer_lowered;
	s9 =	simm.s32 $_tile_overlayer_lowered  }
0x9e: {  	s23 =	simm.s32 $0x1BFF;
	s22 =	sshll.u32 s9, $0x1;
	s6 =	sadd.s32 s7, s20  }
0x9f: {  	s10 =	simm.s32 $0x0;
	s21 =	sshll.u32 s8, $0x1;
	s8 =	sadd.s32 s22, s6  }
0xa0: {  	[timem:s10], [sflag:s23] =	dma.local [hbm:s8], s21  }
0xa1: {  	_ =	swait.ge [sflag:s23], s21  }
0xa2: {  	s7 =	ssub.s32 $0x0, s21;
	[sflag:s23] =	ssyncset.done $0x0  }
0xa3: {  	[sflag:s23] =	ssyncadd.s32 s7;
	_ =	sdelay $0x1  }
0xa4: {  	s24 =	simm.s32 $0x1B8B  }
0xa5: {  	_ =	swait.ge [sflag:s24], $0x1  }
0xa6: {  	[sflag:s24] =	ssyncset.done $0x0  }
0xa7: {  	s25 =	simm.s32 $0x1B8E;
	[sflag:s24] =	ssyncadd.s32 $0xFFFFFFFF  }
0xa8: {  	s26 =	simm.s32 $execute0_lowered;
	[smem:$0x3FD2] =	sst s25  }
0xa9: {  	s7 =	sshll.u32 s26, $0x1;
	_ =	strace $0x80000046;
	[dreg:$0x1] =	wrdreg $0xFFFFFFFF  }
0xaa: {  	s28 =	simm.s32 $_size_execute0_lowered;
	s6 =	sadd.s32 s6, s7;
	[dreg:$0x0] =	wrdreg $0x0  }
0xab: {  	s7 =	sshll.u32 s28, $0x1;
	[dreg:$0x2] =	wrdreg s6  }
0xac: {  	[dreg:$0x3] =	wrdreg s7  }
0xad: {  	[dreg:$0x4] =	wrdreg $0xC0  }
0xae: {  	_ =	task [dreg:s10], $0x5FFFF  }
0xaf: {  	[dreg:$0x1] =	wrdreg $0xFFFFFFFF  }
0xb0: {  	[dreg:$0x0] =	wrdreg $0x60  }
0xb1: {  	[dreg:$0x2] =	wrdreg s2  }
0xb2: {  	[dreg:$0x3] =	wrdreg s19  }
0xb3: {  	[dreg:$0x4] =	wrdreg s4  }
0xb4: {  	[dreg:$0x5] =	wrdreg s5  }
0xb5: {  	[dreg:$0x6] =	wrdreg $0x9  }
0xb6: {  	_ =	task.clear_ibuf [dreg:s10], $0x7FFFF;
	_ =	strace $0x90000046  }
0xb7: {  	s29 =	simm.s32 $0x9;
	_ =	strace $0x80000048  }
0xb8: {  	_ =	swait.ge [sflag:s29], $0x1  }
0xb9: {  	[sflag:s29] =	ssyncadd.s32 $0xFFFFFFFF  }
0xba: {  	_ =	strace $0x90000048  }
0xbb: {  	_ =	sfence  }
0xbc: {  	s30 =	sld [smem:$0x0];
	_ =	sdelay $0x2  }
0xbd: {  	s31 =	sshll.u32 s1, $0xD;
	s1 =	sshrl.u32 s1, $0x2  }
0xbe: {  	s3 =	sand.u32 $0x4000, s31;
	s1 =	sadd.s32 s1, s30  }
0xbf: {  	s0 =	sor.u32 s3, s0;
	s1 =	sshll.u32 s1, $0x11  }
0xc0: {  	s0 =	sor.u32 s1, s0  }
0xc1: {  	s0 =	sadd.s32 $0x8F2B, s0  }
0xc2: {  	[sflag:s0] =	ssyncadd.remote.s32 $0x1  }
0xc3: {  	_ =	sfence.sel $0xFFFF  }
0xc4: {  	[dreg:$0x0] =	wrdreg $0xFFFFFFFF;
	(pc) =	sbr.abs _section_cstart, $3  }
0xc5: {  	[dreg:$0x1] =	wrdreg $0xFFFFFFFF  }
0xc6: {  	_ =	task.clear_ibuf [dreg:s10], $0x2FFFF;
	_ =	strace $0x9FFFFFFF  }
0xc7: {  	(tm) =	ssettm $0x7FFFFFFF  }
tec
execute0_lowered:
.L_overlay_start_1:
0x0: {  	(tag) =	ssettag $0x1  }
0x1: {  	s1 =	rddreg [dreg:$0x0]  }
0x2: {  	s0 =	rddreg [dreg:$0x1];
	s2 =	srdreg.scid  }
0x3: {  	s11 =	stileid.u32;
	s4 =	rddreg [dreg:$0x3];
	s5 =	simm.s32 $0x0  }
0x4: {  	v0 =	vimm.s32 $0xEFCDAB89;
	s13 =	simm.s32 $0x5;
	s15 =	simm.s32 $0x80;
	s17 =	simm.s32 $0x1  }
0x5: {  	v1 =	vimm.s32 $0x67452301;
	v2 =	vimm.s32 $0xDCFE98BA;
	s18 =	simm.s32 $0xBD00;
	s20 =	simm.s32 $0xFD00;
	s21 =	simm.s32 $0x2  }
0x6: {  	v3 =	vimm.s32 $0x54761032;
	v4 =	vimm.s32 $0xBA98FEDC;
	s22 =	simm.s32 $0x13D00;
	s2 =	sand.u32 $0x1, s2;
	s8 =	smul.u32 $0x640000, s11  }
0x7: {  	v5 =	vimm.s32 $0x32107654;
	v6 =	vimm.s32 $0xFEDCBA98;
	s3 =	sshll.u32 s11, $0x1;
	[smem:$0x7FF] =	sst s5;
	s11 =	smul.u32 $0x3200, s11  }
0x8: {  	v7 =	vimm.s32 $0x76543210;
	v0 =	vunpack.c.l.s4.s8 v0;
	v1 =	vunpack.c.l.s4.s8 v1;
	s3 =	sor.u32 s2, s3;
	s23 =	smul.u32 $0x320000, s2;
	s7 =	ssub.s32 $0x2, s2  }
0x9: {  	v2 =	vunpack.c.l.s4.s8 v2;
	v3 =	vunpack.c.l.s4.s8 v3;
	v4 =	vunpack.c.l.s4.s8 v4;
	_ =	strace $0x80000047;
	s24 =	smul.u32 $0x1900, s2;
	s9 =	sshrl.u32 s7, $0x1  }
0xa: {  	v5 =	vunpack.c.l.s4.s8 v5;
	v6 =	vunpack.c.l.s4.s8 v6;
	v7 =	vunpack.c.l.s4.s8 v7;
	s6 =	smul.u32 $0x1900, s3;
	s26 =	sshrl.u32 s8, $0x2;
	s7 =	ssub.s32 s7, s9  }
0xb: {  	v0 =	vunpack.c.0.s8.s32 v0;
	v1 =	vunpack.c.0.s8.s32 v1;
	v2 =	vunpack.c.0.s8.s32 v2;
	s28 =	sadd.s32 s23, s8;
	s9 =	sor.u32 $0x1900, s26;
	s29 =	sadd.s32 s24, s11  }
0xc: {  	v3 =	vunpack.c.0.s8.s32 v3;
	v4 =	vunpack.c.0.s8.s32 v4;
	v5 =	vunpack.c.0.s8.s32 v5;
	s19 =	sshrl.u32 s23, $0x2;
	s25 =	smax.u32 s7, $0x1;
	[dreg:$0x7] =	wrdreg s29  }
0xd: {  	s10 =	sshrl.u32 s6, $0x3;
	s31 =	sor.u32 $0x80, s29;
	v0 =	vcombine.low v1, v0;
	v1 =	vunpack.c.0.s8.s32 v6;
	[dreg:$0x6] =	wrdreg s25  }
0xe: {  	s30 =	sshrl.u32 s28, $0x2;
	v2 =	vcombine.low v3, v2;
	v3 =	vcombine.low v5, v4;
	v4 =	vunpack.c.0.s8.s32 v7;
	s0 =	sadd.s32 s0, s10;
	[dreg:$0x9] =	wrdreg s31  }
0xf: {  	s23 =	simm.s32 $0x3;
	[dreg:$0x5] =	wrdreg s0;
	s0 =	sor.u32 $0x1900, s30;
	v0 =	vand.u32 $0xF, v0;
	v5 =	vand.u32 $0xF, v1  }
0x10: {  	s24 =	simm.s32 $0x4;
	s25 =	simm.s32 $0x0;
	v1 =	vand.u32 $0xF, v2;
	v2 =	vand.u32 $0xF, v3;
	[dreg:$0x8] =	wrdreg s0;
	v3 =	vcombine.low v5, v4  }
.LBB2_1:
0x11: {  	s0 =	rddreg [dreg:$0x5]  }
0x12: {  	[tilespmem:s5], [sflag:$0x5] =	stream.linear.gather [hbm4b:s0+s5], $0x1900, $0x38;
	[tilespmem:$0x17D00] =	vst v63  }
0x13: {  	_ =	swait.ge [sflag:s13], $0x1900  }
0x14: {  	[sflag:s13] =	ssyncset.done $0x0  }
0x15: {  	[sflag:s13] =	ssyncadd.s32 $0xFFFFE700  }
0x16: {  	s2 =	simm.s32 $0x1900;
	s16 =	rddreg [dreg:$0x2]  }
0x17: {  	[tilespmem:s2], [sflag:$0x5] =	stream.linear.gather [hbm4b:s16+s5], $0x6400, $0x38;
	[tilespmem:$0x17D00] =	vst v63  }
0x18: {  	_ =	swait.ge [sflag:s13], $0x6400  }
0x19: {  	[sflag:s13] =	ssyncset.done $0x0;
	s28 =	rddreg [dreg:$0x8]  }
0x1a: {  	s26 =	simm.s32 $0x7D00;
	s29 =	rddreg [dreg:$0x7];
	[sflag:s13] =	ssyncadd.s32 $0xFFFF9C00  }
0x1b: {  	[tilespmem:s26], [sflag:$0x1] =	stream.indirect.gather [hbm4b:s1+s15], $0x80, s5, s15, $0xb8;
	[tilespmem:$0x17D00] =	vst v63  }
0x1c: {  	s30 =	simm.s32 $0x0;
	s31 =	simm.s32 $0x0;
	s26 =	rddreg [dreg:$0x9]  }
.LBB2_2:
0x1d: {  	_ =	swait.ge [sflag:s17], $0x4000;
	s0 =	sshllo.u32 s31, $0x1;
	s3 =	smulhi.u32 $0x51EB851F, s29  }
0x1e: {  	p0 =	seq.s32 s31, $0x0;
	[sflag:s17] =	ssyncset.done $0x0;
	s2 =	sshll.u32 s0, $0x7  }
0x1f: {  	[sflag:s17] =	ssyncadd.s32 $0xFFFFC000;
	s0 =	sand.u32 $0x3FFFFF80, s2;
	s12 =	sshrl.u32 s3, $0x6  }
0x20: {  	[tilespmem:s18], [sflag:$0x2] =	stream.indirect.gather [hbm4b:s1+s15], $0x80, s0, s15, $0xb8;
	[tilespmem:$0x17D00] =	vst v63  }
0x21: {  	s3 =	simm.s32 @!p0 $0x3;
	s0 =	smul.u32 $0xFFFE7000, s12  }
0x22: {  	_ =	swait.ge @!p0 [sflag:s3], $0x4000  }
0x23: {  	[sflag:s3] =	ssyncset.done @!p0 $0x0;
	s0 =	sshra.s32 s0, $0x2  }
0x24: {  	[sflag:s3] =	ssyncadd.s32 @!p0 $0xFFFFC000;
	s7 =	sadd.s32 s0, s9;
	s0 =	simm.s32 $0x0  }
0x25: {  	v4 =	vld [tilespmem:s0+$0x7EA0]  }
0x26: {  	v5 =	vld [tilespmem:s0+$0x7E80]  }
0x27: {  	v6 =	vld [tilespmem:s0+$0x7E90]  }
0x28: {  	s3 =	sshra.s32 s30, $0x2;
	s7 =	sadd.s32 s19, s7;
	v10 =	vld [tilespmem:s0+$0x7EB0]  }
0x29: {  	v12 =	vld [tilespmem:s0+$0x7EC0];
	s7 =	sadd.s32 s3, s7  }
0x2a: {  	v14 =	vld [tilespmem:s0+$0x7ED0];
	s7 =	sadd.s32 $0x0, s7  }
0x2b: {  	v7 =	vld [tilespmem:s7+$0x180]  }
0x2c: {  	v8 =	vld [tilespmem:s7+$0x190]  }
0x2d: {  	v9 =	vld [tilespmem:s7+$0x1A0]  }
0x2e: {  	v20 =	vld [tilespmem:s0+$0x7D80]  }
0x2f: {  	v11 =	vld [tilespmem:s7+$0x1B0]  }
0x30: {  	v13 =	vld [tilespmem:s7+$0x1C0]  }
0x31: {  	v15 =	vld [tilespmem:s7+$0x1F0];
	v19 =	vadd.f32 v7, v5;
	v24 =	vadd.f32 v8, v6  }
0x32: {  	v5 =	vld [tilespmem:s7+$0x1D0];
	v22 =	vadd.f32 v9, v4  }
0x33: {  	v4 =	vld [tilespmem:s0+$0x7EE0];
	v6 =	vmul.f32 v19, v19;
	v7 =	vadd.f32 v24, v19;
	v8 =	vmul.f32 v24, v24  }
0x34: {  	v9 =	vld [tilespmem:s7+$0x1E0];
	v23 =	vadd.f32 v11, v10  }
0x35: {  	v10 =	vld [tilespmem:s0+$0x7EF0];
	v11 =	vmul.f32 v22, v22;
	v6 =	vadd.f32 v8, v6;
	v8 =	vadd.f32 v22, v7  }
0x36: {  	v21 =	vld [tilespmem:s0+$0x7D90];
	v52 =	vadd.f32 v13, v12  }
0x37: {  	v26 =	vld [tilespmem:s0+$0x7E00];
	v13 =	vmul.f32 v23, v23;
	v6 =	vadd.f32 v11, v6;
	v11 =	vadd.f32 v23, v8  }
0x38: {  	v27 =	vld [tilespmem:s0+$0x7E10];
	v51 =	vadd.f32 v5, v14  }
0x39: {  	v34 =	vld [tilespmem:s0+$0x7E20];
	v6 =	vadd.f32 v13, v6;
	v11 =	vadd.f32 v52, v11;
	v13 =	vmul.f32 v52, v52  }
0x3a: {  	v12 =	vld [tilespmem:s7+$0x0];
	v50 =	vadd.f32 v9, v4;
	v25 =	vadd.f32 v15, v10  }
0x3b: {  	v10 =	vld [tilespmem:s0+$0x7D00];
	v4 =	vadd.f32 v13, v6;
	v6 =	vadd.f32 v51, v11;
	v11 =	vmul.f32 v51, v51  }
0x3c: {  	v39 =	vld [tilespmem:s0+$0x7D30]  }
0x3d: {  	v16 =	vld [tilespmem:s7+$0x10];
	v4 =	vadd.f32 v11, v4;
	v6 =	vadd.f32 v50, v6;
	v11 =	vmul.f32 v50, v50  }
0x3e: {  	v18 =	vld [tilespmem:s7+$0x100]  }
0x3f: {  	v15 =	vld [tilespmem:s0+$0x7D10];
	v4 =	vadd.f32 v11, v4;
	v6 =	vadd.f32 v25, v6;
	v11 =	vmul.f32 v25, v25  }
0x40: {  	v17 =	vadd.f32 v12, v10;
	v12 =	vld [tilespmem:s7+$0x120]  }
0x41: {  	v5 =	vld [tilespmem:s7+$0x80];
	v4 =	vadd.f32 v11, v4;
	v11 =	vperm.xlane v6, v0  }
0x42: {  	v14 =	vld [tilespmem:s7+$0x90]  }
0x43: {  	v13 =	vld [tilespmem:s7+$0x110];
	v11 =	vadd.f32 v6, v11;
	v29 =	vperm.xlane v4, v0  }
0x44: {  	v28 =	vld [tilespmem:s7+$0x20];
	v8 =	vadd.f32 v18, v26;
	v6 =	vadd.f32 v16, v15  }
0x45: {  	v61 =	vadd.f32 v12, v34;
	v16 =	vld [tilespmem:s0+$0x7D20];
	v10 =	vperm.xlane v11, v1;
	v15 =	vadd.f32 v29, v4  }
0x46: {  	v30 =	vld [tilespmem:s7+$0xA0];
	v4 =	vadd.f32 v5, v20;
	v20 =	vmul.f32 v17, v17;
	v31 =	vadd.f32 v6, v17  }
0x47: {  	v29 =	vld [tilespmem:s0+$0x7DA0];
	v5 =	vadd.f32 v14, v21;
	v14 =	vmul.f32 v6, v6;
	v32 =	vadd.f32 v11, v10  }
0x48: {  	v55 =	vld [tilespmem:s0+$0x7D40];
	v33 =	vperm.xlane v15, v1;
	v11 =	vadd.f32 v13, v27;
	v27 =	vmul.f32 v4, v4  }
0x49: {  	v47 =	vld [tilespmem:s7+$0xB0];
	v35 =	vadd.f32 v5, v4;
	v36 =	vmul.f32 v5, v5;
	v14 =	vadd.f32 v14, v20  }
0x4a: {  	v26 =	vld [tilespmem:s7+$0x30];
	v40 =	vmul.f32 v8, v8;
	v21 =	vadd.f32 v28, v16;
	v15 =	vadd.f32 v33, v15  }
0x4b: {  	v37 =	vld [tilespmem:s7+$0x130];
	v13 =	vperm.xlane v32, v2;
	v38 =	vadd.f32 v11, v8;
	v48 =	vadd.f32 v36, v27  }
0x4c: {  	v28 =	vld [tilespmem:s0+$0x7E30];
	v18 =	vadd.f32 v30, v29;
	v29 =	vmul.f32 v11, v11;
	v30 =	vadd.f32 v21, v31  }
0x4d: {  	v49 =	vld [tilespmem:s7+$0xC0];
	v27 =	vmul.f32 v21, v21;
	v32 =	vadd.f32 v32, v13;
	v38 =	vadd.f32 v61, v38  }
0x4e: {  	v16 =	vld [tilespmem:s0+$0x7DB0];
	v13 =	vperm.xlane v15, v2;
	v35 =	vadd.f32 v18, v35;
	v29 =	vadd.f32 v29, v40  }
0x4f: {  	v31 =	vld [tilespmem:s7+$0x40];
	v42 =	vadd.f32 v27, v14;
	v27 =	vadd.f32 v26, v39  }
0x50: {  	v41 =	vmul.f32 v18, v18;
	v26 =	vld [tilespmem:s0+$0x7DC0];
	v20 =	vperm.xlane v32, v3;
	v15 =	vadd.f32 v13, v15  }
0x51: {  	v45 =	vld [tilespmem:s0+$0x7E50];
	v57 =	vmul.f32 v61, v61;
	v14 =	vadd.f32 v37, v28;
	v30 =	vadd.f32 v27, v30  }
0x52: {  	v53 =	vld [tilespmem:s7+$0x150];
	v34 =	vadd.f32 v41, v48;
	v12 =	vadd.f32 v32, v20;
	v20 =	vperm.xlane v15, v3  }
0x53: {  	v28 =	vld [tilespmem:s7+$0x50];
	v39 =	vadd.f32 v57, v29;
	v38 =	vadd.f32 v14, v38  }
0x54: {  	v29 =	vadd.f32 v31, v55;
	v31 =	vld [tilespmem:s0+$0x7D50];
	v44 =	vmul.f32 v14, v14;
	v15 =	vadd.f32 v20, v15  }
0x55: {  	v56 =	vld [tilespmem:s0+$0x7E40];
	v12 =	vmul.f32 $7.812500000e-03, v12;
	v20 =	vadd.f32 v47, v16;
	v26 =	vadd.f32 v49, v26  }
0x56: {  	v43 =	vld [tilespmem:s0+$0x7DD0];
	v60 =	vadd.f32 v29, v30;
	v48 =	vadd.f32 v44, v39  }
0x57: {  	v54 =	vld [tilespmem:s7+$0x140];
	v15 =	vmul.f32 $7.812500000e-03, v15;
	v16 =	vmul.f32 v12, v12;
	v35 =	vadd.f32 v20, v35  }
0x58: {  	v58 =	vld [tilespmem:s7+$0xD0];
	v59 =	vmul.f32 v20, v20;
	v9 =	vsub.f32 v19, v12;
	v19 =	vadd.f32 v53, v45  }
0x59: {  	v63 =	vld [tilespmem:s7+$0x60];
	v31 =	vadd.f32 v28, v31;
	v15 =	vsub.f32 v15, v16;
	v16 =	vmul.f32 v27, v27  }
0x5a: {  	v49 =	vld [tilespmem:s7+$0xE0];
	v62 =	vadd.f32 v59, v34;
	v35 =	vadd.f32 v26, v35  }
0x5b: {  	v30 =	vmul.f32 v29, v29;
	v28 =	vld [tilespmem:s7+$0x160];
	[tilespmem:$0x1FEA0] =	vst v9;
	v9 =	vsub.f32 v25, v12;
	v42 =	vadd.f32 v16, v42  }
0x5c: {  	v55 =	vld [tilespmem:s0+$0x7D60];
	v16 =	vadd.f32 v54, v56;
	v56 =	vadd.f32 v31, v60  }
0x5d: {  	v57 =	vld [tilespmem:s0+$0x7DE0];
	v54 =	vmul.f32 v26, v26;
	v42 =	vadd.f32 v30, v42;
	v30 =	vadd.f32 v58, v43  }
0x5e: {  	v59 =	vld [tilespmem:s0+$0x7E60];
	[tilespmem:$0x1FE90] =	vst v9;
	v9 =	vsub.f32 v24, v12;
	v38 =	vadd.f32 v16, v38;
	v58 =	vmul.f32 v16, v16  }
0x5f: {  	v60 =	vmul.f32 v31, v31;
	v46 =	vld [tilespmem:s7+$0x70];
	v40 =	vadd.f32 v54, v62;
	v35 =	vadd.f32 v30, v35  }
0x60: {  	v47 =	vld [tilespmem:s0+$0x7D70];
	v25 =	vmul.f32 v30, v30;
	v36 =	vadd.f32 v58, v48;
	v38 =	vadd.f32 v19, v38  }
0x61: {  	v62 =	vld [tilespmem:s7+$0xF0];
	v42 =	vadd.f32 v60, v42;
	v44 =	vadd.f32 v63, v55  }
0x62: {  	v53 =	vmul.f32 v19, v19;
	v63 =	vld [tilespmem:s7+$0x170];
	v32 =	vadd.f32 v49, v57;
	v40 =	vadd.f32 v25, v40  }
0x63: {  	v48 =	vld [tilespmem:s0+$0x7DF0];
	v37 =	vadd.f32 v44, v56;
	v25 =	vadd.f32 v28, v59  }
0x64: {  	v54 =	vmul.f32 v44, v44;
	v28 =	vadd.f32 v32, v35;
	v36 =	vadd.f32 v53, v36;
	v56 =	vld [tilespmem:s0+$0x7E70]  }
0x65: {  	v55 =	vmul.f32 v32, v32;
	[tilespmem:$0x1FEB0] =	vst v9;
	v45 =	vadd.f32 v46, v47;
	v9 =	vsub.f32 v22, v12  }
0x66: {  	v39 =	vadd.f32 v54, v42;
	v38 =	vadd.f32 v25, v38  }
0x67: {  	v40 =	vadd.f32 v55, v40;
	v58 =	vadd.f32 v45, v37;
	v46 =	vmul.f32 v45, v45  }
0x68: {  	v57 =	vmul.f32 v25, v25;
	[tilespmem:$0x1FEC0] =	vst v9;
	v9 =	vsub.f32 v23, v12;
	v24 =	vadd.f32 v62, v48  }
0x69: {  	v23 =	vadd.f32 v46, v39;
	v62 =	vperm.xlane v58, v0;
	v22 =	vadd.f32 v63, v56  }
0x6a: {  	v42 =	vadd.f32 v57, v36;
	v28 =	vadd.f32 v24, v28;
	v59 =	vmul.f32 v24, v24  }
0x6b: {  	v46 =	vperm.xlane v23, v0;
	v41 =	vadd.f32 v58, v62;
	v38 =	vadd.f32 v22, v38  }
0x6c: {  	v60 =	vmul.f32 v22, v22;
	v34 =	vadd.f32 v59, v40;
	v63 =	vperm.xlane v28, v0  }
0x6d: {  	v23 =	vadd.f32 v46, v23;
	v43 =	vperm.xlane v41, v1;
	v33 =	vperm.xlane v38, v0  }
0x6e: {  	v39 =	vadd.f32 v60, v42;
	v28 =	vadd.f32 v28, v63;
	v35 =	vperm.xlane v34, v0  }
0x6f: {  	s11 =	sadd.s32 $0x4, s29;
	v49 =	vperm.xlane v23, v1;
	v41 =	vadd.f32 v41, v43;
	v38 =	vadd.f32 v38, v33  }
0x70: {  	s14 =	smulhi.u32 $0x51EB851F, s11;
	v37 =	vperm.xlane v39, v0;
	v48 =	vperm.xlane v28, v1;
	v34 =	vadd.f32 v35, v34  }
0x71: {  	v23 =	vadd.f32 v49, v23;
	v43 =	vperm.xlane v41, v2;
	v53 =	vperm.xlane v38, v1  }
0x72: {  	s7 =	sshrl.u32 s14, $0x6;
	v39 =	vadd.f32 v37, v39;
	v28 =	vadd.f32 v28, v48;
	v54 =	vperm.xlane v34, v1  }
0x73: {  	s7 =	smul.u32 $0xFFFE7000, s7;
	v56 =	vperm.xlane v23, v2;
	v57 =	vadd.f32 v41, v43;
	v38 =	vadd.f32 v38, v53  }
0x74: {  	v55 =	vperm.xlane v39, v1;
	v46 =	vperm.xlane v28, v2;
	v34 =	vadd.f32 v54, v34  }
0x75: {  	s7 =	sshra.s32 s7, $0x2;
	v23 =	vadd.f32 v56, v23;
	v43 =	vperm.xlane v57, v3;
	v47 =	vperm.xlane v38, v2  }
0x76: {  	s7 =	sadd.s32 s7, s9;
	v39 =	vadd.f32 v55, v39;
	v28 =	vadd.f32 v28, v46;
	v58 =	vperm.xlane v34, v2  }
0x77: {  	s7 =	sadd.s32 s19, s7;
	v60 =	vperm.xlane v23, v3;
	v40 =	vadd.f32 v57, v43;
	v38 =	vadd.f32 v38, v47  }
0x78: {  	s7 =	sadd.s32 s3, s7;
	v59 =	vperm.xlane v39, v2;
	v46 =	vperm.xlane v28, v3;
	v34 =	vadd.f32 v58, v34  }
0x79: {  	[tilespmem:$0x1FED0] =	vst v9;
	s7 =	sadd.s32 $0x200, s7;
	v23 =	vadd.f32 v60, v23;
	v40 =	vmul.f32 $7.812500000e-03, v40;
	v47 =	vperm.xlane v38, v3  }
0x7a: {  	s14 =	simm.s32 $0x200;
	v49 =	vld [tilespmem:s7+$0x180];
	v39 =	vadd.f32 v59, v39;
	v28 =	vadd.f32 v28, v46;
	v62 =	vperm.xlane v34, v3  }
0x7b: {  	v48 =	vld [tilespmem:s14+$0x7E90];
	v33 =	vmul.f32 $7.812500000e-03, v23;
	v35 =	vmul.f32 v40, v40;
	v38 =	vadd.f32 v38, v47  }
0x7c: {  	v54 =	vld [tilespmem:s7+$0x190];
	v9 =	vsub.f32 v27, v40;
	v34 =	vadd.f32 v62, v34;
	v42 =	vmul.f32 $7.812500000e-03, v28  }
0x7d: {  	v43 =	vld [tilespmem:s14+$0x7EA0];
	v60 =	vsub.f32 v6, v40;
	v47 =	vsub.f32 v17, v40;
	v59 =	vmul.f32 $7.812500000e-03, v38  }
0x7e: {  	v38 =	vld [tilespmem:s14+$0x7E80];
	v17 =	vmul.f32 $7.812500000e-03, v34;
	v6 =	vmul.f32 v42, v42;
	[tilespmem:$0x1FDE0] =	vst v9;
	v9 =	vsub.f32 v29, v40  }
0x7f: {  	v41 =	vsub.f32 v33, v35;
	v55 =	vld [tilespmem:s14+$0x7EB0]  }
0x80: {  	v33 =	vsub.f32 v17, v6;
	v6 =	vld [tilespmem:s7+$0x1A0];
	[tilespmem:$0x1FDF0] =	vst v9;
	v9 =	vsub.f32 v31, v40  }
0x81: {  	v63 =	vperm.xlane v39, v3  }
0x82: {  	[tilespmem:$0x1FE00] =	vst v9;
	v9 =	vsub.f32 v44, v40  }
0x83: {  	v39 =	vadd.f32 v63, v39  }
0x84: {  	v63 =	vsub.f32 v21, v40;
	v56 =	vld [tilespmem:s7+$0x1B0];
	[tilespmem:$0x1FE10] =	vst v9;
	v9 =	vsub.f32 v45, v40  }
0x85: {  	v4 =	vsub.f32 v4, v42;
	v39 =	vmul.f32 $7.812500000e-03, v39;
	v21 =	vmul.f32 v59, v59  }
0x86: {  	v13 =	vadd.f32 v49, v38;
	[tilespmem:$0x1FE20] =	vst v9  }
0x87: {  	v34 =	vsub.f32 v39, v21;
	v9 =	vadd.f32 v54, v48;
	v39 =	vld [tilespmem:s14+$0x7EC0];
	[tilespmem:$0x1FE30] =	vst v4  }
0x88: {  	v10 =	vadd.f32 v6, v43;
	v4 =	vld [tilespmem:s7+$0x1C0];
	[tilespmem:$0x1FF60] =	vst v13  }
0x89: {  	v58 =	vsub.f32 v5, v42;
	[tilespmem:$0x1FF70] =	vst v9  }
0x8a: {  	v54 =	vadd.f32 v9, v13;
	v35 =	vmul.f32 v9, v9;
	v9 =	vsub.f32 v20, v42;
	v5 =	vld [tilespmem:s14+$0x7ED0];
	[tilespmem:$0x1FF90] =	vst v10  }
0x8b: {  	v6 =	vld [tilespmem:s7+$0x1D0]  }
0x8c: {  	v57 =	vld [tilespmem:s14+$0x7EE0];
	[tilespmem:$0x1FE40] =	vst v9;
	v9 =	vadd.f32 v56, v55;
	_ =	sdelay $0x1  }
0x8d: {  	v36 =	vmul.f32 v10, v10;
	v43 =	vadd.f32 v10, v54;
	v10 =	vsub.f32 v26, v42;
	[tilespmem:$0x1FFB0] =	vst v9  }
0x8e: {  	v20 =	vld [tilespmem:s7+$0x1E0]  }
0x8f: {  	v26 =	vadd.f32 v9, v43;
	v37 =	vld [tilespmem:s14+$0x7EF0];
	[tilespmem:$0x1FE50] =	vst v10  }
0x90: {  	v4 =	vadd.f32 v4, v39;
	v39 =	vmul.f32 v9, v9;
	v9 =	vsub.f32 v30, v42;
	v38 =	vld [tilespmem:s7+$0x1F0]  }
0x91: {  	v62 =	vsub.f32 v18, v42  }
0x92: {  	v18 =	vmul.f32 v13, v13;
	v21 =	vld [tilespmem:s7+$0x0];
	[tilespmem:$0x1FE60] =	vst v9;
	v6 =	vadd.f32 v6, v5;
	v5 =	vsub.f32 v32, v42  }
0x93: {  	v7 =	vadd.f32 $1.000000050e-03, v15;
	v30 =	vld [tilespmem:s7+$0x10]  }
0x94: {  	v13 =	vsub.f32 v24, v42;
	v18 =	vadd.f32 v35, v18;
	v15 =	vld [tilespmem:s7+$0x80];
	[tilespmem:$0x1FE70] =	vst v5  }
0x95: {  	v5 =	vadd.f32 v20, v57;
	v9 =	vld [tilespmem:s7+$0x90];
	v20 =	vadd.f32 v38, v37  }
0x96: {  	v10 =	vld [tilespmem:s7+$0x100];
	[tilespmem:$0x1FE80] =	vst v13  }
0x97: {  	v8 =	vsub.f32 v8, v59;
	v18 =	vadd.f32 v36, v18;
	[tilespmem:$0x1FF50] =	vst v20  }
0x98: {  	v17 =	vld [tilespmem:s7+$0x110]  }
0x99: {  	v18 =	vadd.f32 v39, v18;
	v45 =	vmul.f32 v4, v4;
	v43 =	vld [tilespmem:s14+$0x7D00];
	[tilespmem:$0x1FEE0] =	vst v8;
	v8 =	vsub.f32 v61, v59  }
0x9a: {  	v26 =	vadd.f32 v4, v26;
	v13 =	vld [tilespmem:s14+$0x7D10]  }
0x9b: {  	v18 =	vadd.f32 v45, v18;
	v37 =	vld [tilespmem:s14+$0x7D80];
	[tilespmem:$0x1FEF0] =	vst v8;
	v8 =	vsub.f32 v14, v59  }
0x9c: {  	v46 =	vadd.f32 v6, v26;
	v48 =	vmul.f32 v6, v6;
	v14 =	vsub.f32 v16, v59  }
0x9d: {  	v16 =	vsub.f32 v19, v59;
	[tilespmem:$0x1FF00] =	vst v8  }
0x9e: {  	v18 =	vadd.f32 v48, v18;
	v32 =	vadd.f32 v5, v46;
	v49 =	vmul.f32 v5, v5;
	v8 =	vld [tilespmem:s14+$0x7D90];
	[tilespmem:$0x1FF10] =	vst v14  }
0x9f: {  	v55 =	vsub.f32 v11, v59;
	v38 =	vld [tilespmem:s14+$0x7E00];
	[tilespmem:$0x1FF20] =	vst v16;
	v16 =	vsub.f32 v25, v59  }
0xa0: {  	v36 =	vmul.f32 v20, v20;
	v11 =	vadd.f32 v49, v18;
	v18 =	vadd.f32 v20, v32  }
0xa1: {  	v23 =	vadd.f32 $1.000000050e-03, v41;
	[tilespmem:$0x1FF30] =	vst v16;
	v16 =	vsub.f32 v22, v59  }
0xa2: {  	v14 =	vadd.f32 v36, v11;
	v11 =	vperm.xlane v18, v0  }
0xa3: {  	v24 =	vmul.f32 $5.000000000e-01, v23;
	v57 =	vshra.s32 v7, $0x1;
	v7 =	vmul.f32 $5.000000000e-01, v7;
	v19 =	vld [tilespmem:s14+$0x7E10];
	[tilespmem:$0x1FF40] =	vst v16  }
0xa4: {  	v44 =	vsub.s32 $0x5F3759DF, v57;
	v18 =	vadd.f32 v18, v11;
	v22 =	vperm.xlane v14, v0;
	v25 =	vld [tilespmem:s7+$0x20]  }
0xa5: {  	v27 =	vmul.f32 v44, v7;
	v53 =	vadd.f32 v21, v43;
	v11 =	vsub.f32 v51, v12;
	v39 =	vld [tilespmem:s7+$0xA0]  }
0xa6: {  	v46 =	vperm.xlane v18, v1;
	v16 =	vsub.f32 v52, v12;
	v22 =	vadd.f32 v22, v14;
	v7 =	vld [tilespmem:s7+$0x120]  }
0xa7: {  	v20 =	vshra.s32 v23, $0x1;
	v12 =	vsub.f32 v50, v12;
	v50 =	vadd.f32 v30, v13;
	v13 =	vld [tilespmem:s14+$0x7D20]  }
0xa8: {  	v14 =	vadd.f32 v15, v37;
	v18 =	vadd.f32 v18, v46;
	v30 =	vld [tilespmem:s14+$0x7DA0];
	[tilespmem:$0x1FFD0] =	vst v53;
	v21 =	vperm.xlane v22, v1  }
0xa9: {  	v54 =	vmul.f32 v53, v53;
	v15 =	vadd.f32 v9, v8;
	v9 =	vadd.f32 v10, v38;
	v8 =	vld [tilespmem:s14+$0x7E20]  }
0xaa: {  	v56 =	vmul.f32 v50, v50;
	[tilespmem:$0x1FFE0] =	vst v50;
	v21 =	vadd.f32 v21, v22;
	v22 =	vperm.xlane v18, v2  }
0xab: {  	v27 =	vmul.f32 v44, v27;
	v26 =	vld [tilespmem:s7+$0x30];
	v59 =	vmul.f32 v9, v9;
	v10 =	vadd.f32 v17, v19  }
0xac: {  	v19 =	vmul.f32 v14, v14;
	v32 =	vadd.f32 v56, v54;
	v17 =	vld [tilespmem:s14+$0x7D30];
	v22 =	vadd.f32 v18, v22  }
0xad: {  	v57 =	vperm.xlane v21, v2;
	v46 =	vadd.f32 v25, v13;
	v25 =	vmul.f32 v15, v15  }
0xae: {  	v61 =	vld [tilespmem:s14+$0x7DB0];
	v18 =	vadd.f32 v39, v30;
	v13 =	vadd.f32 v7, v8;
	v8 =	vmul.f32 v10, v10  }
0xaf: {  	v30 =	vld [tilespmem:s7+$0xB0];
	v21 =	vadd.f32 v57, v21;
	v29 =	vadd.f32 v25, v19;
	v25 =	vperm.xlane v22, v3  }
0xb0: {  	v23 =	vld [tilespmem:s7+$0x130];
	v19 =	vsub.s32 $0x5F3759DF, v20;
	v7 =	vmul.f32 v46, v46;
	[tilespmem:$0x1FFF0] =	vst v46;
	v37 =	vadd.f32 v8, v59  }
0xb1: {  	v8 =	vmul.f32 v19, v24;
	v45 =	vld [tilespmem:s14+$0x7E30];
	v24 =	vadd.f32 v26, v17;
	v20 =	vperm.xlane v21, v3  }
0xb2: {  	v48 =	vld [tilespmem:s7+$0x40];
	v17 =	vsub.f32 $1.500000000e+00, v27;
	v22 =	vadd.f32 v22, v25  }
0xb3: {  	v49 =	vld [tilespmem:s7+$0xC0];
	v32 =	vadd.f32 v7, v32;
	v8 =	vmul.f32 v19, v8;
	v21 =	vadd.f32 v20, v21  }
0xb4: {  	v39 =	vld [tilespmem:s7+$0x140];
	v7 =	vmul.f32 $7.812500000e-03, v22;
	v20 =	vadd.f32 v30, v61;
	v30 =	vmul.f32 v18, v18  }
0xb5: {  	v56 =	vld [tilespmem:s14+$0x7D40];
	v27 =	vsub.f32 $1.500000000e+00, v8;
	v8 =	vmul.f32 v44, v17;
	v22 =	vmul.f32 $7.812500000e-03, v21  }
0xb6: {  	v57 =	vld [tilespmem:s14+$0x7DC0];
	v21 =	vmul.f32 v7, v7;
	v17 =	vadd.f32 v23, v45;
	v23 =	vadd.f32 $1.000000050e-03, v33  }
0xb7: {  	v28 =	vld [tilespmem:s14+$0x7E40];
	v31 =	vadd.f32 v30, v29;
	v45 =	vmul.f32 v20, v20;
	v42 =	vmul.f32 v19, v27  }
0xb8: {  	v41 =	vld [tilespmem:s7+$0xD0];
	v27 =	vmul.f32 v24, v24;
	v44 =	vsub.f32 v22, v21;
	v21 =	vadd.f32 $1.000000050e-03, v34  }
0xb9: {  	v26 =	vld [tilespmem:s14+$0x7D50];
	v22 =	vshra.s32 v23, $0x1;
	v23 =	vmul.f32 $5.000000000e-01, v23;
	v31 =	vadd.f32 v45, v31  }
0xba: {  	v30 =	vld [tilespmem:s7+$0x50];
	v59 =	vsub.s32 $0x5F3759DF, v22;
	v22 =	vmul.f32 v13, v13;
	v32 =	vadd.f32 v27, v32  }
0xbb: {  	v43 =	vld [tilespmem:s14+$0x7DD0];
	v19 =	vshra.s32 v21, $0x1;
	v21 =	vmul.f32 $5.000000000e-01, v21;
	v25 =	vmul.f32 v59, v23  }
0xbc: {  	v61 =	vld [tilespmem:s7+$0x150];
	v27 =	vadd.f32 v48, v56;
	v37 =	vadd.f32 v22, v37;
	v23 =	vsub.s32 $0x5F3759DF, v19  }
0xbd: {  	v22 =	vadd.f32 v49, v57;
	v49 =	vld [tilespmem:s14+$0x7E50];
	v21 =	vmul.f32 v23, v21;
	v25 =	vmul.f32 v59, v25  }
0xbe: {  	v48 =	vmul.f32 v17, v17;
	v19 =	vadd.f32 v39, v28;
	v28 =	vmul.f32 v27, v27  }
0xbf: {  	v30 =	vadd.f32 v30, v26;
	v25 =	vsub.f32 $1.500000000e+00, v25;
	v21 =	vmul.f32 v23, v21  }
0xc0: {  	v56 =	vadd.f32 v48, v37;
	v28 =	vadd.f32 v28, v32  }
0xc1: {  	v37 =	vmul.f32 v59, v25;
	v57 =	vsub.f32 $1.500000000e+00, v21;
	v59 =	vmul.f32 v22, v22  }
0xc2: {  	v25 =	vadd.f32 v41, v43;
	v21 =	vadd.f32 v61, v49;
	v61 =	vmul.f32 v30, v30  }
0xc3: {  	v41 =	vmul.f32 v23, v57  }
0xc4: {  	v23 =	vadd.f32 v59, v31;
	v43 =	vadd.f32 v61, v28;
	v28 =	vmul.f32 v25, v25;
	_ =	sdelay $0x1  }
0xc5: {  	v39 =	vadd.f32 v28, v23;
	v23 =	vld [tilespmem:$0x1FDE0];
	_ =	sdelay $0x4  }
0xc6: {  	v49 =	vmul.f32 v42, v23;
	v23 =	vld [tilespmem:$0x1FDF0];
	_ =	sdelay $0x4  }
0xc7: {  	v51 =	vmul.f32 v42, v23;
	v23 =	vld [tilespmem:$0x1FE00];
	_ =	sdelay $0x2  }
0xc8: {  	v54 =	vld [tilespmem:s7+$0x60];
	v26 =	vmul.f32 v19, v19  }
0xc9: {  	v36 =	vld [tilespmem:s7+$0xE0]  }
0xca: {  	v33 =	vadd.f32 v26, v56;
	v56 =	vmul.f32 v42, v23;
	v23 =	vld [tilespmem:$0x1FE10]  }
0xcb: {  	v35 =	vld [tilespmem:s7+$0x160]  }
0xcc: {  	v29 =	vld [tilespmem:s14+$0x7D60]  }
0xcd: {  	v40 =	vld [tilespmem:s14+$0x7DE0]  }
0xce: {  	v26 =	vld [tilespmem:$0x1FE30]  }
0xcf: {  	v61 =	vmul.f32 v42, v23;
	v23 =	vld [tilespmem:$0x1FE20]  }
0xd0: {  	v31 =	vld [tilespmem:s14+$0x7E60]  }
0xd1: {  	v52 =	vmul.f32 v42, v63;
	v32 =	vadd.f32 v54, v29  }
0xd2: {  	v38 =	vld [tilespmem:s7+$0x70];
	v44 =	vadd.f32 $1.000000050e-03, v44;
	v48 =	vmul.f32 v42, v60;
	v28 =	vadd.f32 v36, v40  }
0xd3: {  	v60 =	vld [tilespmem:s14+$0x7D70];
	v59 =	vmul.f32 v37, v26;
	v26 =	vmul.f32 v32, v32  }
0xd4: {  	v45 =	vshra.s32 v44, $0x1;
	v40 =	vld [tilespmem:$0x1FE60];
	v29 =	vmul.f32 v28, v28;
	v63 =	vmul.f32 v42, v23  }
0xd5: {  	v23 =	vadd.f32 v35, v31;
	v35 =	vsub.s32 $0x5F3759DF, v45;
	v45 =	vadd.f32 v26, v43;
	v26 =	vld [tilespmem:$0x1FE40]  }
0xd6: {  	v34 =	vmul.f32 $5.000000000e-01, v44;
	v44 =	vadd.f32 v29, v39;
	v29 =	vld [tilespmem:$0x1FE50]  }
0xd7: {  	v47 =	vmul.f32 v42, v47;
	v54 =	vmul.f32 v21, v21;
	v42 =	vld [tilespmem:$0x1FE70]  }
0xd8: {  	v43 =	vld [tilespmem:$0x1FE80];
	v34 =	vmul.f32 v35, v34  }
0xd9: {  	v57 =	vmul.f32 v37, v62;
	v33 =	vadd.f32 v54, v33;
	v54 =	vmul.f32 v37, v58  }
0xda: {  	v58 =	vmul.f32 v37, v26;
	v26 =	vmul.f32 v35, v34  }
0xdb: {  	v36 =	vld [tilespmem:s7+$0xF0];
	v34 =	vadd.f32 v38, v60;
	v60 =	vmul.f32 v37, v29;
	v29 =	vmul.f32 v23, v23  }
0xdc: {  	v62 =	vmul.f32 v37, v40;
	v31 =	vld [tilespmem:s14+$0x7DF0];
	v38 =	vmul.f32 v37, v42  }
0xdd: {  	v37 =	vmul.f32 v37, v43;
	v43 =	vadd.f32 v29, v33;
	v29 =	vadd.f32 v50, v53;
	v50 =	vld [tilespmem:$0x1FE90]  }
0xde: {  	v40 =	vld [tilespmem:$0x1FEA0];
	_ =	sdelay $0x1  }
0xdf: {  	v42 =	vld [tilespmem:$0x1FEB0]  }
0xe0: {  	v53 =	vadd.f32 v46, v29;
	v46 =	vld [tilespmem:$0x1FEC0]  }
0xe1: {  	v31 =	vadd.f32 v36, v31;
	v36 =	vmul.f32 v8, v50;
	v50 =	vld [tilespmem:$0x1FED0]  }
0xe2: {  	[tilespmem:$0x1FFA0] =	vst v37;
	v37 =	vmul.f32 v8, v40;
	v33 =	vadd.f32 v24, v53;
	v53 =	vld [tilespmem:$0x1FEE0]  }
0xe3: {  	[tilespmem:$0x1FF80] =	vst v38  }
0xe4: {  	[tilespmem:s0+$0xFE80] =	vst v37  }
0xe5: {  	v38 =	vmul.f32 v8, v42;
	[tilespmem:s0+$0xFEF0] =	vst v36  }
0xe6: {  	v39 =	vmul.f32 v8, v46;
	v37 =	vld [tilespmem:$0x1FEF0];
	v40 =	vmul.f32 v8, v50  }
0xe7: {  	v50 =	vmul.f32 v41, v53;
	v53 =	vmul.f32 v41, v55;
	v55 =	vld [tilespmem:$0x1FF00];
	[tilespmem:s0+$0xFE90] =	vst v38  }
0xe8: {  	v38 =	vld [tilespmem:$0x1FF10];
	[tilespmem:s0+$0xFEA0] =	vst v39  }
0xe9: {  	v46 =	vld [tilespmem:$0x1FF30];
	_ =	sdelay $0x4  }
0xea: {  	v29 =	vadd.f32 v10, v9;
	v46 =	vmul.f32 v41, v46  }
0xeb: {  	v42 =	vld [tilespmem:s7+$0x170]  }
0xec: {  	v29 =	vadd.f32 v13, v29;
	v36 =	vld [tilespmem:s14+$0x7E70];
	[tilespmem:$0x1FFC0] =	vst v46  }
0xed: {  	v26 =	vsub.f32 $1.500000000e+00, v26;
	v33 =	vadd.f32 v27, v33;
	v39 =	vld [tilespmem:$0x1FF20];
	[tilespmem:s0+$0xFEB0] =	vst v40  }
0xee: {  	v29 =	vadd.f32 v17, v29;
	v40 =	vld [tilespmem:$0x1FF40];
	[tilespmem:s0+$0xFD00] =	vst v47  }
0xef: {  	v26 =	vmul.f32 v35, v26;
	v35 =	vadd.f32 v15, v14;
	v33 =	vadd.f32 v30, v33;
	[tilespmem:s0+$0xFD10] =	vst v48  }
0xf0: {  	v29 =	vadd.f32 v19, v29;
	[tilespmem:s0+$0xFD20] =	vst v52  }
0xf1: {  	v35 =	vadd.f32 v18, v35;
	v33 =	vadd.f32 v32, v33;
	v47 =	vmul.f32 v34, v34;
	[tilespmem:s0+$0xFD30] =	vst v49  }
0xf2: {  	v46 =	vadd.f32 v21, v29;
	v29 =	vadd.f32 v42, v36;
	[tilespmem:s0+$0xFD40] =	vst v51  }
0xf3: {  	v35 =	vadd.f32 v20, v35;
	[tilespmem:s0+$0xFD50] =	vst v56;
	v36 =	vadd.f32 v47, v45  }
0xf4: {  	v33 =	vadd.f32 v34, v33;
	v48 =	vmul.f32 v31, v31;
	v52 =	vmul.f32 v29, v29;
	[tilespmem:s0+$0xFD60] =	vst v61  }
0xf5: {  	v35 =	vadd.f32 v22, v35;
	[tilespmem:s0+$0xFD70] =	vst v63;
	v51 =	vperm.xlane v36, v0  }
0xf6: {  	[tilespmem:s0+$0xFD80] =	vst v59;
	v42 =	vadd.f32 v48, v44;
	v48 =	vperm.xlane v33, v0;
	v43 =	vadd.f32 v52, v43  }
0xf7: {  	v35 =	vadd.f32 v25, v35;
	v36 =	vadd.f32 v51, v36;
	v51 =	vld [tilespmem:$0x1FF50];
	[tilespmem:s0+$0xFD90] =	vst v54  }
0xf8: {  	v33 =	vadd.f32 v33, v48;
	v48 =	vperm.xlane v43, v0;
	v54 =	vld [tilespmem:$0x1FF60];
	[tilespmem:s0+$0xFDA0] =	vst v57  }
0xf9: {  	v35 =	vadd.f32 v28, v35;
	[tilespmem:s0+$0xFDB0] =	vst v58  }
0xfa: {  	v43 =	vadd.f32 v48, v43;
	v48 =	vld [tilespmem:$0x1FF70];
	[tilespmem:s0+$0xFDC0] =	vst v60  }
0xfb: {  	v35 =	vadd.f32 v31, v35;
	[tilespmem:s0+$0xFDD0] =	vst v62  }
0xfc: {  	v62 =	vld [tilespmem:$0x1FF80]  }
0xfd: {  	v49 =	vperm.xlane v35, v0  }
0xfe: {  	v37 =	vmul.f32 v41, v37;
	v56 =	vperm.xlane v42, v0  }
0xff: {  	v55 =	vmul.f32 v41, v55;
	v38 =	vmul.f32 v41, v38;
	v35 =	vadd.f32 v35, v49  }
0x100: {  	v42 =	vadd.f32 v56, v42;
	v49 =	vperm.xlane v33, v1;
	v56 =	vperm.xlane v36, v1  }
0x101: {  	v39 =	vmul.f32 v41, v39;
	v40 =	vmul.f32 v41, v40;
	v41 =	vadd.f32 v23, v46;
	[tilespmem:s0+$0xFDE0] =	vst v62  }
0x102: {  	v44 =	vadd.f32 v33, v49;
	v49 =	vadd.f32 v56, v36;
	v56 =	vld [tilespmem:$0x1FFA0];
	_ =	sdelay $0x1  }
0x103: {  	v41 =	vadd.f32 v29, v41;
	_ =	sdelay $0x1  }
0x104: {  	v52 =	vperm.xlane v41, v0;
	v33 =	vld [tilespmem:$0x1FF90];
	[tilespmem:s0+$0xFE00] =	vst v50  }
0x105: {  	[tilespmem:s0+$0xFDF0] =	vst v56  }
0x106: {  	v41 =	vadd.f32 v41, v52;
	v46 =	vsub.f32 v51, v7;
	v36 =	vld [tilespmem:$0x1FFB0];
	[tilespmem:s0+$0xFE10] =	vst v53  }
0x107: {  	v59 =	vperm.xlane v42, v1;
	[tilespmem:s0+$0xFE20] =	vst v37  }
0x108: {  	v46 =	vmul.f32 v26, v46;
	v57 =	vperm.xlane v41, v1;
	[tilespmem:s0+$0xFE30] =	vst v55  }
0x109: {  	v60 =	vperm.xlane v43, v1;
	v52 =	vperm.xlane v35, v1;
	[tilespmem:s0+$0xFE40] =	vst v38  }
0x10a: {  	v42 =	vadd.f32 v59, v42;
	v41 =	vadd.f32 v41, v57;
	v57 =	vperm.xlane v49, v2;
	[tilespmem:s14+$0xFEF0] =	vst v46  }
0x10b: {  	v61 =	vperm.xlane v44, v2;
	v43 =	vadd.f32 v60, v43;
	v35 =	vadd.f32 v35, v52;
	[tilespmem:s0+$0xFE50] =	vst v39  }
0x10c: {  	v47 =	vsub.f32 v54, v7;
	v49 =	vadd.f32 v57, v49;
	v57 =	vld [tilespmem:$0x1FFC0]  }
0x10d: {  	v44 =	vadd.f32 v44, v61;
	v59 =	vperm.xlane v42, v2;
	v63 =	vperm.xlane v35, v2  }
0x10e: {  	v60 =	vperm.xlane v43, v2;
	v48 =	vsub.f32 v48, v7;
	v58 =	vperm.xlane v41, v2  }
0x10f: {  	v47 =	vmul.f32 v26, v47;
	v61 =	vperm.xlane v44, v3;
	v35 =	vadd.f32 v35, v63  }
0x110: {  	v42 =	vadd.f32 v59, v42;
	v48 =	vmul.f32 v26, v48;
	v41 =	vadd.f32 v41, v58;
	[tilespmem:s0+$0xFE70] =	vst v40  }
0x111: {  	v43 =	vadd.f32 v60, v43;
	v51 =	vperm.xlane v35, v3;
	v62 =	vperm.xlane v49, v3;
	[tilespmem:s0+$0xFE60] =	vst v57  }
0x112: {  	v33 =	vsub.f32 v33, v7;
	v63 =	vperm.xlane v41, v3;
	v37 =	vadd.f32 v44, v61;
	v61 =	vld [tilespmem:$0x1FFD0];
	[tilespmem:s14+$0xFE80] =	vst v47  }
0x113: {  	v35 =	vadd.f32 v35, v51;
	v51 =	vperm.xlane v42, v3;
	v53 =	vadd.f32 v62, v49;
	v62 =	vld [tilespmem:$0x1FFE0];
	[tilespmem:s14+$0xFE90] =	vst v48  }
0x114: {  	v55 =	vperm.xlane v43, v3;
	v54 =	vadd.f32 v41, v63;
	v41 =	vmul.f32 $7.812500000e-03, v37;
	v63 =	vld [tilespmem:$0x1FFF0]  }
0x115: {  	v56 =	vadd.f32 v51, v42;
	v35 =	vmul.f32 $7.812500000e-03, v35;
	v58 =	vmul.f32 $7.812500000e-03, v53  }
0x116: {  	v59 =	vadd.f32 v55, v43;
	v39 =	vmul.f32 $7.812500000e-03, v54;
	v60 =	vmul.f32 v41, v41  }
0x117: {  	v45 =	vmul.f32 $7.812500000e-03, v56;
	v46 =	vmul.f32 v35, v35;
	v36 =	vsub.f32 v36, v7  }
0x118: {  	s16 =	sshll.u32 s31, $0x8;
	s8 =	simm.s32 $0x800;
	v42 =	vmul.f32 $7.812500000e-03, v59;
	v47 =	vsub.f32 v58, v60;
	v43 =	vsub.f32 v61, v41  }
0x119: {  	s16 =	sadd.s32 s6, s16;
	s11 =	sadd.s32 $0x4, s11;
	s7 =	simm.s32 $0x4;
	v40 =	vmul.f32 v39, v39;
	v37 =	vsub.f32 v62, v41;
	v38 =	vsub.f32 v63, v41  }
.LBB2_3:
0x11a: {  	s12 =	smulhi.u32 $0x51EB851F, s11;
	v24 =	vsub.f32 v24, v41;
	v44 =	vsub.f32 v45, v46;
	v33 =	vmul.f32 v26, v33  }
0x11b: {  	s7 =	sadd.s32 $0x4, s7;
	v36 =	vmul.f32 v26, v36;
	v45 =	vadd.f32 $1.000000050e-03, v47;
	v40 =	vsub.f32 v42, v40  }
0x11c: {  	v27 =	vsub.f32 v27, v41;
	v16 =	vmul.f32 v8, v16;
	p0 =	slt.u32 s7, $0x7C;
	s12 =	sshrl.u32 s12, $0x6;
	v42 =	vadd.f32 $1.000000050e-03, v44;
	[tilespmem:s14+$0xFEA0] =	vst v33  }
0x11d: {  	s12 =	smul.u32 $0xFFFE7000, s12;
	v33 =	vshra.s32 v45, $0x1;
	v44 =	vmul.f32 $5.000000000e-01, v45;
	v40 =	vadd.f32 $1.000000050e-03, v40;
	[tilespmem:s14+$0xFEB0] =	vst v36  }
0x11e: {  	v33 =	vsub.s32 $0x5F3759DF, v33;
	v36 =	vshra.s32 v42, $0x1;
	v42 =	vmul.f32 $5.000000000e-01, v42;
	[tilespmem:s0+$0xFEC0] =	vst v16  }
0x11f: {  	s8 =	sadd.s32 $0x800, s8;
	s12 =	sshra.s32 s12, $0x2;
	v16 =	vsub.s32 $0x5F3759DF, v36;
	v36 =	vshra.s32 v40, $0x1;
	v40 =	vmul.f32 $5.000000000e-01, v40  }
0x120: {  	s10 =	sshra.s32 s8, $0x2;
	v44 =	vmul.f32 v33, v44;
	s12 =	sadd.s32 s12, s9;
	v42 =	vmul.f32 v16, v42;
	v36 =	vsub.s32 $0x5F3759DF, v36  }
0x121: {  	v46 =	vsub.f32 v30, v41;
	v32 =	vsub.f32 v32, v41;
	s12 =	sadd.s32 s19, s12;
	v45 =	vld [tilespmem:s10+$0x7EA0];
	v30 =	vmul.f32 v36, v40  }
0x122: {  	v34 =	vsub.f32 v34, v41;
	v44 =	vmul.f32 v33, v44;
	s12 =	sadd.s32 s3, s12;
	v40 =	vld [tilespmem:s10+$0x7E80];
	v41 =	vmul.f32 v16, v42  }
0x123: {  	v15 =	vsub.f32 v15, v35;
	v47 =	vsub.f32 v14, v35;
	s12 =	sadd.s32 s10, s12;
	v42 =	vld [tilespmem:s10+$0x7E90];
	v14 =	vmul.f32 v36, v30  }
0x124: {  	v11 =	vmul.f32 v8, v11;
	v44 =	vsub.f32 $1.500000000e+00, v44;
	v30 =	vld [tilespmem:s12+$0x180];
	v41 =	vsub.f32 $1.500000000e+00, v41  }
0x125: {  	v49 =	vsub.f32 v18, v35;
	v12 =	vmul.f32 v8, v12;
	v8 =	vmovc v26;
	v48 =	vld [tilespmem:s12+$0x190];
	v18 =	vsub.f32 $1.500000000e+00, v14  }
0x126: {  	v20 =	vsub.f32 v20, v35;
	v44 =	vmul.f32 v33, v44;
	v26 =	vld [tilespmem:s12+$0x1A0];
	v14 =	vmul.f32 v16, v41;
	[tilespmem:s0+$0xFED0] =	vst v11  }
0x127: {  	v50 =	vsub.f32 v25, v35;
	v41 =	vsub.f32 v22, v35;
	v11 =	vld [tilespmem:s10+$0x7EB0];
	v33 =	vmul.f32 v36, v18;
	[tilespmem:s0+$0xFEE0] =	vst v12;
	s0 =	smov.u32 s14;
	s14 =	smov.u32 s10  }
0x128: {  	v51 =	vsub.f32 v31, v35;
	v16 =	vmul.f32 v44, v43;
	v43 =	vsub.f32 v28, v35;
	v12 =	vld [tilespmem:s12+$0x1B0]  }
0x129: {  	v9 =	vsub.f32 v9, v39;
	v22 =	vmul.f32 v44, v37;
	v18 =	vsub.f32 v10, v39;
	v28 =	vld [tilespmem:s14+$0x7EC0]  }
0x12a: {  	v25 =	vadd.f32 v30, v40;
	v31 =	vadd.f32 v48, v42;
	v10 =	vld [tilespmem:s12+$0x1C0];
	[tilespmem:s0+$0xFD00] =	vst v16;
	v16 =	vmul.f32 v44, v38  }
0x12b: {  	v24 =	vmul.f32 v44, v24;
	v35 =	vadd.f32 v26, v45;
	v37 =	vld [tilespmem:s14+$0x7ED0];
	[tilespmem:s0+$0xFD10] =	vst v22;
	v22 =	vsub.f32 v13, v39  }
0x12c: {  	v13 =	vmul.f32 v25, v25;
	v26 =	vadd.f32 v31, v25;
	v38 =	vmul.f32 v31, v31;
	v40 =	vld [tilespmem:s12+$0x1D0];
	[tilespmem:s0+$0xFD20] =	vst v16  }
0x12d: {  	v30 =	vsub.f32 v17, v39;
	v36 =	vadd.f32 v12, v11;
	v11 =	vld [tilespmem:s14+$0x7EE0];
	[tilespmem:s0+$0xFD30] =	vst v24;
	v12 =	vmul.f32 v44, v27  }
0x12e: {  	v17 =	vmul.f32 v35, v35;
	v13 =	vadd.f32 v38, v13;
	v16 =	vadd.f32 v35, v26;
	v24 =	vld [tilespmem:s12+$0x1E0]  }
0x12f: {  	v26 =	vsub.f32 v19, v39;
	v10 =	vadd.f32 v10, v28;
	v27 =	vld [tilespmem:s14+$0x7EF0];
	[tilespmem:s0+$0xFD40] =	vst v12;
	v12 =	vmul.f32 v44, v46  }
0x130: {  	v13 =	vadd.f32 v17, v13;
	v16 =	vadd.f32 v36, v16;
	v17 =	vmul.f32 v36, v36;
	v19 =	vld [tilespmem:s12+$0x1F0]  }
0x131: {  	v28 =	vsub.f32 v21, v39;
	v38 =	vld [tilespmem:s12+$0x0];
	v37 =	vadd.f32 v40, v37;
	[tilespmem:s0+$0xFD50] =	vst v12;
	v12 =	vmul.f32 v44, v32  }
0x132: {  	v21 =	vld [tilespmem:s12+$0x10];
	v13 =	vadd.f32 v17, v13;
	v16 =	vadd.f32 v10, v16;
	v17 =	vmul.f32 v10, v10  }
0x133: {  	v23 =	vsub.f32 v23, v39;
	v40 =	vld [tilespmem:s12+$0x80];
	v24 =	vadd.f32 v24, v11;
	[tilespmem:s0+$0xFD60] =	vst v12;
	v11 =	vmul.f32 v44, v34  }
0x134: {  	v34 =	vld [tilespmem:s12+$0x90];
	v12 =	vadd.f32 v17, v13;
	v13 =	vadd.f32 v37, v16;
	v16 =	vmul.f32 v37, v37  }
0x135: {  	v29 =	vsub.f32 v29, v39;
	v17 =	vld [tilespmem:s12+$0x100];
	v32 =	vadd.f32 v19, v27;
	[tilespmem:s0+$0xFD70] =	vst v11;
	v11 =	vmul.f32 v14, v47  }
0x136: {  	v27 =	vmul.f32 v24, v24;
	v19 =	vld [tilespmem:s12+$0x110];
	v12 =	vadd.f32 v16, v12;
	v13 =	vadd.f32 v24, v13  }
0x137: {  	v15 =	vmul.f32 v14, v15;
	v16 =	vsub.f32 v4, v7;
	v39 =	vld [tilespmem:s14+$0x7D00];
	[tilespmem:s0+$0xFD80] =	vst v11;
	v11 =	vsub.f32 v6, v7  }
0x138: {  	v4 =	vmovc v10;
	v42 =	vld [tilespmem:s14+$0x7D10];
	v45 =	vadd.f32 v27, v12;
	v13 =	vadd.f32 v32, v13;
	v27 =	vmul.f32 v32, v32  }
0x139: {  	v20 =	vmul.f32 v14, v20;
	v12 =	vsub.f32 v5, v7;
	v10 =	vld [tilespmem:s14+$0x7D80];
	[tilespmem:s0+$0xFD90] =	vst v15;
	v15 =	vmul.f32 v14, v49  }
0x13a: {  	v41 =	vmul.f32 v14, v41;
	v6 =	vmovc v37;
	v7 =	vld [tilespmem:s14+$0x7D90];
	v27 =	vadd.f32 v27, v45;
	v44 =	vperm.xlane v13, v0  }
0x13b: {  	v43 =	vmul.f32 v14, v43;
	v5 =	vmov v24;
	v45 =	vld [tilespmem:s14+$0x7E00];
	[tilespmem:s0+$0xFDA0] =	vst v15;
	v15 =	vmul.f32 v14, v50  }
0x13c: {  	v37 =	vadd.f32 v38, v39;
	v24 =	vld [tilespmem:s14+$0x7E10];
	v13 =	vadd.f32 v13, v44;
	v39 =	vperm.xlane v27, v0;
	[tilespmem:s0+$0xFDB0] =	vst v20  }
0x13d: {  	v38 =	vadd.f32 v21, v42;
	v20 =	vld [tilespmem:s12+$0x20];
	[tilespmem:s0+$0xFDC0] =	vst v41;
	v21 =	vmul.f32 v14, v51;
	v41 =	vmul.f32 v33, v9  }
0x13e: {  	v14 =	vadd.f32 v40, v10;
	v42 =	vld [tilespmem:s12+$0xA0];
	v10 =	vperm.xlane v13, v1;
	v27 =	vadd.f32 v39, v27;
	[tilespmem:s0+$0xFDD0] =	vst v15  }
0x13f: {  	v39 =	vmul.f32 v37, v37;
	v44 =	vadd.f32 v38, v37;
	v15 =	vadd.f32 v34, v7;
	v7 =	vld [tilespmem:s12+$0x120];
	[tilespmem:s0+$0xFDE0] =	vst v43  }
0x140: {  	v34 =	vld [tilespmem:s14+$0x7D20];
	v9 =	vadd.f32 v17, v45;
	v13 =	vadd.f32 v13, v10;
	v17 =	vperm.xlane v27, v1;
	[tilespmem:s0+$0xFDF0] =	vst v21  }
0x141: {  	v21 =	vmul.f32 v38, v38;
	v43 =	vmul.f32 v14, v14;
	v45 =	vld [tilespmem:s14+$0x7DA0];
	v10 =	vadd.f32 v19, v24;
	[tilespmem:s0+$0xFE00] =	vst v41  }
0x142: {  	v19 =	vadd.f32 v15, v14;
	v24 =	vld [tilespmem:s14+$0x7E20];
	v40 =	vperm.xlane v13, v2;
	v17 =	vadd.f32 v17, v27  }
0x143: {  	v41 =	vmul.f32 v15, v15;
	v46 =	vmul.f32 v9, v9;
	v27 =	vld [tilespmem:s12+$0x30];
	v47 =	vadd.f32 v10, v9  }
0x144: {  	v49 =	vmul.f32 v10, v10;
	v48 =	vld [tilespmem:s12+$0xB0];
	v50 =	vadd.f32 v13, v40;
	v13 =	vperm.xlane v17, v2  }
0x145: {  	v21 =	vadd.f32 v21, v39;
	v40 =	vadd.f32 v20, v34;
	v34 =	vld [tilespmem:s12+$0x130];
	v20 =	vmul.f32 v33, v18  }
0x146: {  	v39 =	vld [tilespmem:s14+$0x7D30];
	v18 =	vadd.f32 v42, v45;
	v42 =	vperm.xlane v50, v3;
	v17 =	vadd.f32 v13, v17  }
0x147: {  	v44 =	vadd.f32 v40, v44;
	v45 =	vmul.f32 v40, v40;
	v51 =	vld [tilespmem:s14+$0x7DB0];
	v13 =	vadd.f32 v7, v24;
	[tilespmem:s0+$0xFE10] =	vst v20  }
0x148: {  	v41 =	vadd.f32 v41, v43;
	v43 =	vld [tilespmem:s14+$0x7E30];
	v7 =	vadd.f32 v50, v42;
	v20 =	vperm.xlane v17, v3  }
0x149: {  	v46 =	vadd.f32 v49, v46;
	v19 =	vadd.f32 v18, v19;
	v50 =	vmul.f32 v18, v18;
	v42 =	vld [tilespmem:s12+$0x40]  }
0x14a: {  	v47 =	vadd.f32 v13, v47;
	v49 =	vld [tilespmem:s12+$0xC0];
	v17 =	vadd.f32 v20, v17;
	v7 =	vmul.f32 $7.812500000e-03, v7  }
0x14b: {  	v21 =	vadd.f32 v45, v21;
	v24 =	vadd.f32 v27, v39;
	v27 =	vmul.f32 v13, v13;
	v39 =	vld [tilespmem:s12+$0x140]  }
0x14c: {  	v45 =	vld [tilespmem:s14+$0x7D40];
	v20 =	vadd.f32 v48, v51;
	v48 =	vmul.f32 $7.812500000e-03, v17;
	v51 =	vmul.f32 v7, v7  }
0x14d: {  	v44 =	vadd.f32 v24, v44;
	v52 =	vmul.f32 v24, v24;
	v53 =	vld [tilespmem:s14+$0x7DC0];
	v17 =	vadd.f32 v34, v43  }
0x14e: {  	v34 =	vadd.f32 v50, v41;
	v41 =	vmul.f32 v20, v20;
	v43 =	vld [tilespmem:s14+$0x7E40];
	v48 =	vsub.f32 v48, v51  }
0x14f: {  	v46 =	vadd.f32 v27, v46;
	v51 =	vadd.f32 v20, v19;
	v50 =	vld [tilespmem:s12+$0x50];
	v54 =	vmul.f32 v17, v17  }
0x150: {  	v47 =	vadd.f32 v17, v47;
	v55 =	vld [tilespmem:s12+$0xD0];
	v19 =	vadd.f32 $1.000000050e-03, v48;
	v48 =	vmul.f32 v33, v22  }
0x151: {  	v30 =	vmul.f32 v33, v30;
	v21 =	vadd.f32 v52, v21;
	v27 =	vadd.f32 v42, v45;
	v42 =	vld [tilespmem:s12+$0x150]  }
0x152: {  	v45 =	vld [tilespmem:s14+$0x7D50];
	v22 =	vadd.f32 v49, v53;
	v49 =	vshra.s32 v19, $0x1;
	v52 =	vmul.f32 $5.000000000e-01, v19;
	[tilespmem:s0+$0xFE20] =	vst v48  }
0x153: {  	v44 =	vadd.f32 v27, v44;
	v48 =	vld [tilespmem:s14+$0x7DD0];
	v19 =	vadd.f32 v39, v43;
	v39 =	vsub.s32 $0x5F3759DF, v49;
	[tilespmem:s0+$0xFE30] =	vst v30  }
0x154: {  	v34 =	vadd.f32 v41, v34;
	v41 =	vadd.f32 v22, v51;
	v43 =	vld [tilespmem:s14+$0x7E50];
	v30 =	vmul.f32 v39, v52  }
0x155: {  	v46 =	vadd.f32 v54, v46;
	v49 =	vmul.f32 v27, v27;
	v51 =	vld [tilespmem:s12+$0x60];
	v47 =	vadd.f32 v19, v47  }
0x156: {  	v56 =	vsub.f32 v25, v7;
	v52 =	vmul.f32 v22, v22;
	v53 =	vld [tilespmem:s12+$0xE0];
	v54 =	vmul.f32 v39, v30  }
0x157: {  	v49 =	vadd.f32 v49, v21;
	v30 =	vadd.f32 v50, v45;
	v45 =	vmul.f32 v19, v19;
	v50 =	vld [tilespmem:s12+$0x160]  }
0x158: {  	v57 =	vld [tilespmem:s14+$0x7D60];
	v25 =	vadd.f32 v55, v48;
	v48 =	vsub.f32 $1.500000000e+00, v54;
	v54 =	vmul.f32 v33, v26  }
0x159: {  	v44 =	vadd.f32 v30, v44;
	v55 =	vmul.f32 v30, v30;
	v58 =	vld [tilespmem:s14+$0x7DE0];
	v21 =	vadd.f32 v42, v43  }
0x15a: {  	v32 =	vsub.f32 v32, v7;
	v34 =	vadd.f32 v52, v34;
	v42 =	vld [tilespmem:s14+$0x7E60];
	v26 =	vmul.f32 v39, v48;
	[tilespmem:s0+$0xFE40] =	vst v54  }
0x15b: {  	v45 =	vadd.f32 v45, v46;
	v41 =	vadd.f32 v25, v41;
	v43 =	vmul.f32 v25, v25;
	v39 =	vld [tilespmem:s12+$0x70]  }
0x15c: {  	v47 =	vadd.f32 v21, v47;
	v48 =	vmul.f32 v21, v21;
	v46 =	vld [tilespmem:s12+$0xF0];
	v52 =	vmul.f32 v26, v32  }
0x15d: {  	v54 =	vmul.f32 v33, v28;
	v49 =	vadd.f32 v55, v49;
	v32 =	vadd.f32 v51, v57;
	v51 =	vld [tilespmem:s12+$0x170]  }
0x15e: {  	v34 =	vadd.f32 v43, v34;
	v43 =	vmul.f32 v33, v23;
	v55 =	vld [tilespmem:s14+$0x7D70];
	v28 =	vadd.f32 v53, v58;
	[tilespmem:s14+$0xFEF0] =	vst v52  }
0x15f: {  	v44 =	vadd.f32 v32, v44;
	v52 =	vmul.f32 v32, v32;
	v53 =	vld [tilespmem:s14+$0x7DF0];
	v23 =	vadd.f32 v50, v42;
	[tilespmem:s0+$0xFE50] =	vst v54  }
0x160: {  	v45 =	vadd.f32 v48, v45;
	v41 =	vadd.f32 v28, v41;
	v42 =	vmul.f32 v28, v28;
	v48 =	vld [tilespmem:s14+$0x7E70];
	[tilespmem:s0+$0xFE60] =	vst v43  }
0x161: {  	v43 =	vadd.f32 v52, v49;
	v47 =	vadd.f32 v23, v47;
	v49 =	vmul.f32 v23, v23  }
0x162: {  	v29 =	vmul.f32 v33, v29;
	v50 =	vsub.f32 v31, v7;
	v42 =	vadd.f32 v42, v34  }
0x163: {  	v34 =	vadd.f32 v39, v55;
	v39 =	vadd.f32 v49, v45;
	v45 =	vmul.f32 v26, v56  }
0x164: {  	v33 =	vsub.f32 v35, v7;
	v31 =	vadd.f32 v46, v53;
	v46 =	vmul.f32 v26, v50;
	[tilespmem:s0+$0xFE70] =	vst v29  }
0x165: {  	v35 =	vadd.f32 v34, v44;
	v44 =	vmul.f32 v34, v34;
	v29 =	vadd.f32 v51, v48;
	[tilespmem:s14+$0xFE80] =	vst v45  }
0x166: {  	v36 =	vsub.f32 v36, v7;
	v41 =	vadd.f32 v31, v41;
	v45 =	vmul.f32 v31, v31;
	[tilespmem:s14+$0xFE90] =	vst v46  }
0x167: {  	v43 =	vadd.f32 v44, v43;
	v44 =	vadd.f32 v29, v47;
	v46 =	vmul.f32 v29, v29  }
0x168: {  	v47 =	vperm.xlane v35, v0;
	v42 =	vadd.f32 v45, v42;
	v45 =	vperm.xlane v41, v0  }
0x169: {  	v48 =	vperm.xlane v43, v0;
	v39 =	vadd.f32 v46, v39;
	v46 =	vperm.xlane v44, v0  }
0x16a: {  	v35 =	vadd.f32 v35, v47;
	v41 =	vadd.f32 v41, v45;
	v45 =	vperm.xlane v42, v0  }
0x16b: {  	v43 =	vadd.f32 v48, v43;
	v44 =	vadd.f32 v44, v46;
	v46 =	vperm.xlane v39, v0  }
0x16c: {  	v47 =	vperm.xlane v35, v1;
	v48 =	vperm.xlane v41, v1;
	v42 =	vadd.f32 v45, v42  }
0x16d: {  	v45 =	vperm.xlane v43, v1;
	v49 =	vperm.xlane v44, v1;
	v39 =	vadd.f32 v46, v39  }
0x16e: {  	v35 =	vadd.f32 v35, v47;
	v41 =	vadd.f32 v41, v48;
	v46 =	vperm.xlane v42, v1  }
0x16f: {  	v43 =	vadd.f32 v45, v43;
	v44 =	vadd.f32 v44, v49;
	v45 =	vperm.xlane v39, v1  }
0x170: {  	v47 =	vperm.xlane v35, v2;
	v48 =	vperm.xlane v41, v2;
	v42 =	vadd.f32 v46, v42  }
0x171: {  	v46 =	vperm.xlane v43, v2;
	v49 =	vperm.xlane v44, v2;
	v39 =	vadd.f32 v45, v39  }
0x172: {  	v35 =	vadd.f32 v35, v47;
	v41 =	vadd.f32 v41, v48;
	v45 =	vperm.xlane v42, v2  }
0x173: {  	v43 =	vadd.f32 v46, v43;
	v44 =	vadd.f32 v44, v49;
	v46 =	vperm.xlane v39, v2  }
0x174: {  	v47 =	vperm.xlane v35, v3;
	v48 =	vperm.xlane v41, v3;
	v42 =	vadd.f32 v45, v42  }
0x175: {  	v45 =	vperm.xlane v43, v3;
	v49 =	vperm.xlane v44, v3;
	v39 =	vadd.f32 v46, v39  }
0x176: {  	v35 =	vadd.f32 v35, v47;
	v46 =	vadd.f32 v41, v48;
	v47 =	vperm.xlane v42, v3  }
0x177: {  	v43 =	vadd.f32 v45, v43;
	v44 =	vadd.f32 v44, v49;
	v45 =	vperm.xlane v39, v3  }
.Ltmp0:
0x178: {  	v41 =	vmul.f32 $7.812500000e-03, v35;
	v42 =	vadd.f32 v47, v42;
	v35 =	vmul.f32 $7.812500000e-03, v46;
	(pc) =	sbr.rel @p0 .LBB2_3-.Ltmp0, $4  }
0x179: {  	v47 =	vmul.f32 $7.812500000e-03, v43;
	v48 =	vadd.f32 v45, v39;
	v39 =	vmul.f32 $7.812500000e-03, v44  }
0x17a: {  	v44 =	vmul.f32 v41, v41;
	v43 =	vsub.f32 v37, v41;
	v45 =	vmul.f32 $7.812500000e-03, v42  }
0x17b: {  	v37 =	vsub.f32 v38, v41;
	v46 =	vmul.f32 v35, v35;
	v42 =	vmul.f32 $7.812500000e-03, v48  }
0x17c: {  	s11 =	sadd.s32 $0x4, s11;
	v38 =	vsub.f32 v40, v41;
	v47 =	vsub.f32 v47, v44;
	v40 =	vmul.f32 v39, v39  }
0x17d: {  	_ = 	snop  }
0x17e: {  	v44 =	vadd.f32 $1.000000050e-03, v47;
	_ =	sdelay $0x1  }
0x17f: {  	v47 =	vshra.s32 v44, $0x1;
	v44 =	vmul.f32 $5.000000000e-01, v44  }
0x180: {  	v47 =	vsub.s32 $0x5F3759DF, v47  }
0x181: {  	v33 =	vmul.f32 v26, v33;
	v44 =	vmul.f32 v47, v44  }
0x182: {  	v45 =	vsub.f32 v45, v46;
	v36 =	vmul.f32 v26, v36  }
0x183: {  	v16 =	vmul.f32 v8, v16;
	v4 =	vsub.f32 v4, v7;
	[tilespmem:s14+$0xFEA0] =	vst v33;
	v44 =	vmul.f32 v47, v44  }
0x184: {  	v11 =	vmul.f32 v8, v11;
	v6 =	vsub.f32 v6, v7;
	v45 =	vadd.f32 $1.000000050e-03, v45;
	[tilespmem:s14+$0xFEB0] =	vst v36  }
0x185: {  	v8 =	vmul.f32 v8, v12;
	v5 =	vsub.f32 v5, v7;
	[tilespmem:s0+$0xFEC0] =	vst v16;
	v44 =	vsub.f32 $1.500000000e+00, v44  }
0x186: {  	[tilespmem:s0+$0xFED0] =	vst v11;
	v4 =	vmul.f32 v26, v4;
	v62 =	vmul.f32 $5.000000000e-01, v45;
	v63 =	vshra.s32 v45, $0x1  }
0x187: {  	[tilespmem:s0+$0xFEE0] =	vst v8;
	v6 =	vmul.f32 v26, v6;
	v16 =	vsub.s32 $0x5F3759DF, v63;
	v44 =	vmul.f32 v47, v44  }
0x188: {  	[tilespmem:s14+$0xFEC0] =	vst v4;
	v4 =	vmul.f32 v26, v5;
	v12 =	vmul.f32 v16, v62  }
0x189: {  	v24 =	vsub.f32 v24, v41;
	[tilespmem:s14+$0xFED0] =	vst v6;
	v11 =	vmul.f32 v44, v43  }
0x18a: {  	v27 =	vsub.f32 v27, v41;
	[tilespmem:s14+$0xFEE0] =	vst v4;
	v12 =	vmul.f32 v16, v12;
	v8 =	vmul.f32 v44, v37  }
0x18b: {  	v30 =	vsub.f32 v30, v41;
	v40 =	vsub.f32 v42, v40;
	[tilespmem:s14+$0xFD00] =	vst v11;
	v11 =	vmul.f32 v44, v38  }
0x18c: {  	v14 =	vsub.f32 v14, v35;
	v12 =	vsub.f32 $1.500000000e+00, v12;
	[tilespmem:s14+$0xFD10] =	vst v8;
	v8 =	vmul.f32 v44, v24  }
0x18d: {  	v40 =	vadd.f32 $1.000000050e-03, v40;
	v24 =	vsub.f32 v32, v41;
	[tilespmem:s14+$0xFD20] =	vst v11;
	v11 =	vmul.f32 v44, v27  }
0x18e: {  	v12 =	vmul.f32 v16, v12;
	v43 =	vsub.f32 v34, v41;
	[tilespmem:s14+$0xFD30] =	vst v8;
	v8 =	vmul.f32 v44, v30  }
0x18f: {  	v42 =	vshra.s32 v40, $0x1;
	v27 =	vmul.f32 $5.000000000e-01, v40;
	[tilespmem:s14+$0xFD40] =	vst v11;
	v11 =	vmul.f32 v44, v24  }
0x190: {  	v15 =	vsub.f32 v15, v35;
	v16 =	vsub.s32 $0x5F3759DF, v42;
	[tilespmem:s14+$0xFD50] =	vst v8;
	v8 =	vmul.f32 v44, v43  }
0x191: {  	v18 =	vsub.f32 v18, v35;
	v24 =	vmul.f32 v16, v27;
	[tilespmem:s14+$0xFD60] =	vst v11;
	v11 =	vmul.f32 v12, v14  }
0x192: {  	v14 =	vsub.f32 v20, v35;
	[tilespmem:s14+$0xFD70] =	vst v8;
	v8 =	vmul.f32 v12, v15  }
0x193: {  	v15 =	vmul.f32 v16, v24;
	v20 =	vsub.f32 v22, v35;
	[tilespmem:s14+$0xFD80] =	vst v11;
	v11 =	vmul.f32 v12, v18  }
0x194: {  	v18 =	vsub.f32 v25, v35;
	[tilespmem:s14+$0xFD90] =	vst v8;
	v8 =	vmul.f32 v12, v14  }
0x195: {  	v14 =	vsub.f32 $1.500000000e+00, v15;
	v15 =	vsub.f32 v28, v35;
	v20 =	vmul.f32 v12, v20;
	[tilespmem:s14+$0xFDA0] =	vst v11  }
0x196: {  	v11 =	vsub.f32 v31, v35;
	v18 =	vmul.f32 v12, v18;
	[tilespmem:s14+$0xFDB0] =	vst v8  }
0x197: {  	v9 =	vsub.f32 v9, v39;
	v8 =	vmul.f32 v16, v14;
	v14 =	vmul.f32 v12, v15;
	[tilespmem:s14+$0xFDC0] =	vst v20  }
0x198: {  	v10 =	vsub.f32 v10, v39;
	v11 =	vmul.f32 v12, v11;
	[tilespmem:s14+$0xFDD0] =	vst v18  }
0x199: {  	v12 =	vsub.f32 v13, v39;
	v9 =	vmul.f32 v8, v9;
	[tilespmem:s14+$0xFDE0] =	vst v14  }
0x19a: {  	v13 =	vsub.f32 v17, v39;
	v10 =	vmul.f32 v8, v10;
	[tilespmem:s14+$0xFDF0] =	vst v11  }
0x19b: {  	v11 =	vsub.f32 v19, v39;
	[tilespmem:s14+$0xFE00] =	vst v9;
	v9 =	vmul.f32 v8, v12  }
0x19c: {  	v12 =	vsub.f32 v21, v39;
	[tilespmem:s14+$0xFE10] =	vst v10;
	v10 =	vmul.f32 v8, v13  }
0x19d: {  	v13 =	vsub.f32 v23, v39;
	[tilespmem:s14+$0xFE20] =	vst v9;
	v9 =	vmul.f32 v8, v11  }
0x19e: {  	v11 =	vsub.f32 v29, v39;
	[tilespmem:s14+$0xFE30] =	vst v10;
	v10 =	vmul.f32 v8, v12  }
0x19f: {  	[tilespmem:s14+$0xFE40] =	vst v9;
	v9 =	vmul.f32 v8, v13  }
0x1a0: {  	[tilespmem:s14+$0xFE50] =	vst v10;
	v8 =	vmul.f32 v8, v11  }
0x1a1: {  	s10 =	sshll.u32 s16, $0x4;
	[tilespmem:s14+$0xFE60] =	vst v9  }
0x1a2: {  	p0 =	seq.s32 s31, $0x18;
	s0 =	sadd.s32 s4, s10;
	[tilespmem:s14+$0xFE70] =	vst v8  }
0x1a3: {  	[hbm4b:s0+s5] =	stream.linear.scatter [tilespmem:s20], [sflag:$0x3], $0x4000, $0x38;
	[tilespmem:$0x17D00] =	vst v63  }
0x1a4: {  	p1 =	seq.s32 @!p0 s31, $0x0;
	s0 =	sshll.u32 @!p0 s31, $0x8;
	_ =	swait.ge [sflag:s21], $0x4000  }
0x1a5: {  	s3 =	simm.s32 @!p0 $0x80;
	s0 =	sand.u32 @!p0 $0x3FFFFF00, s0;
	[sflag:s21] =	ssyncset.done $0x0  }
0x1a6: {  	s7 =	simm.s32 @!p0 $0x7D00;
	s0 =	sadd.s32 @!p0 $0x100, s0;
	[sflag:s21] =	ssyncadd.s32 $0xFFFFC000  }
0x1a7: {  	[tilespmem:s7], [sflag:$0x1] =	stream.indirect.gather @!p0 [hbm4b:s1+s3], $0x80, s0, s3, $0xb8;
	[tilespmem:$0x17D00] =	vst v63  }
0x1a8: {  	s11 =	smulhi.u32 $0x51EB851F, s26;
	p0 =	por p0, !p1  }
0x1a9: {  	_ =	swait.ge @p0 [sflag:s24], $0x4000  }
0x1aa: {  	s0 =	sshrl.u32 s11, $0x6;
	[sflag:s24] =	ssyncset.done @p0 $0x0  }
0x1ab: {  	s12 =	smul.u32 $0xFFFE7000, s0;
	s0 =	simm.s32 $0x0;
	[sflag:s24] =	ssyncadd.s32 @p0 $0xFFFFC000  }
0x1ac: {  	v4 =	vld [tilespmem:s0+$0xBEA0]  }
0x1ad: {  	v5 =	vld [tilespmem:s0+$0xBE80]  }
0x1ae: {  	v6 =	vld [tilespmem:s0+$0xBE90]  }
0x1af: {  	v10 =	vld [tilespmem:s0+$0xBEB0]  }
0x1b0: {  	v12 =	vld [tilespmem:s0+$0xBEC0]  }
0x1b1: {  	s3 =	sshra.s32 s12, $0x2;
	v14 =	vld [tilespmem:s0+$0xBEF0]  }
0x1b2: {  	s3 =	sadd.s32 s3, s28;
	v16 =	vld [tilespmem:s0+$0xBD10]  }
0x1b3: {  	v20 =	vld [tilespmem:s0+$0xBD80];
	s3 =	sadd.s32 $0x0, s3  }
0x1b4: {  	v7 =	vld [tilespmem:s3+$0x4180]  }
0x1b5: {  	v8 =	vld [tilespmem:s3+$0x4190]  }
0x1b6: {  	v9 =	vld [tilespmem:s3+$0x41A0]  }
0x1b7: {  	v11 =	vld [tilespmem:s3+$0x41B0]  }
0x1b8: {  	v13 =	vld [tilespmem:s3+$0x41C0]  }
0x1b9: {  	v22 =	vld [tilespmem:s0+$0xBD90]  }
0x1ba: {  	v19 =	vadd.f32 v7, v5;
	v26 =	vadd.f32 v8, v6;
	v5 =	vld [tilespmem:s0+$0xBED0]  }
0x1bb: {  	v21 =	vadd.f32 v9, v4;
	v4 =	vld [tilespmem:s3+$0x41D0]  }
0x1bc: {  	v9 =	vld [tilespmem:s0+$0xBEE0];
	v6 =	vmul.f32 v19, v19;
	v7 =	vadd.f32 v26, v19;
	v8 =	vmul.f32 v26, v26  }
0x1bd: {  	v23 =	vadd.f32 v11, v10;
	v10 =	vld [tilespmem:s3+$0x41E0];
	v58 =	vadd.f32 v13, v12  }
0x1be: {  	v12 =	vld [tilespmem:s3+$0x41F0];
	v11 =	vmul.f32 v21, v21;
	v6 =	vadd.f32 v8, v6;
	v8 =	vadd.f32 v21, v7  }
0x1bf: {  	v24 =	vld [tilespmem:s0+$0xBE00]  }
0x1c0: {  	v25 =	vld [tilespmem:s0+$0xBE10];
	v13 =	vmul.f32 v23, v23;
	v6 =	vadd.f32 v11, v6;
	v11 =	vadd.f32 v23, v8  }
0x1c1: {  	v44 =	vld [tilespmem:s0+$0xBDA0];
	v56 =	vadd.f32 v4, v5  }
0x1c2: {  	v15 =	vld [tilespmem:s3+$0x4000];
	v5 =	vadd.f32 v13, v6;
	v6 =	vadd.f32 v58, v11;
	v11 =	vmul.f32 v58, v58  }
0x1c3: {  	v4 =	vld [tilespmem:s3+$0x4010];
	v7 =	vadd.f32 v10, v9;
	v28 =	vadd.f32 v12, v14  }
0x1c4: {  	v14 =	vld [tilespmem:s0+$0xBD00];
	v5 =	vadd.f32 v11, v5;
	v6 =	vadd.f32 v56, v6;
	v11 =	vmul.f32 v56, v56  }
0x1c5: {  	v13 =	vld [tilespmem:s3+$0x4080]  }
0x1c6: {  	v18 =	vld [tilespmem:s3+$0x4100];
	v5 =	vadd.f32 v11, v5;
	v6 =	vadd.f32 v7, v6;
	v11 =	vmul.f32 v7, v7  }
0x1c7: {  	v27 =	vld [tilespmem:s3+$0x4020]  }
0x1c8: {  	v10 =	vld [tilespmem:s3+$0x4090];
	v5 =	vadd.f32 v11, v5;
	v6 =	vadd.f32 v28, v6;
	v11 =	vmul.f32 v28, v28  }
0x1c9: {  	v12 =	vld [tilespmem:s3+$0x4110];
	v17 =	vadd.f32 v15, v14;
	v16 =	vadd.f32 v4, v16  }
0x1ca: {  	v4 =	vadd.f32 v13, v20;
	v20 =	vld [tilespmem:s0+$0xBD20];
	v5 =	vadd.f32 v11, v5;
	v11 =	vperm.xlane v6, v0  }
0x1cb: {  	v52 =	vld [tilespmem:s0+$0xBDB0];
	v8 =	vadd.f32 v18, v24;
	v18 =	vmul.f32 v16, v16;
	v13 =	vmul.f32 v17, v17  }
0x1cc: {  	v30 =	vld [tilespmem:s3+$0x4120];
	v6 =	vadd.f32 v6, v11;
	v11 =	vperm.xlane v5, v0  }
0x1cd: {  	v47 =	vld [tilespmem:s3+$0x40B0];
	v31 =	vadd.f32 v16, v17;
	v18 =	vadd.f32 v18, v13  }
0x1ce: {  	v24 =	vld [tilespmem:s3+$0x4030];
	v15 =	vperm.xlane v6, v1;
	v29 =	vadd.f32 v11, v5;
	v5 =	vadd.f32 v10, v22  }
0x1cf: {  	v51 =	vmul.f32 v8, v8;
	v22 =	vld [tilespmem:s0+$0xBE20];
	v11 =	vadd.f32 v12, v25;
	v25 =	vadd.f32 v27, v20  }
0x1d0: {  	v20 =	vld [tilespmem:s0+$0xBD30];
	v6 =	vadd.f32 v6, v15;
	v15 =	vperm.xlane v29, v1;
	v45 =	vadd.f32 v5, v4  }
0x1d1: {  	v14 =	vld [tilespmem:s3+$0x40A0];
	v48 =	vadd.f32 v11, v8;
	v27 =	vmul.f32 v11, v11;
	v53 =	vmul.f32 v25, v25  }
0x1d2: {  	v31 =	vadd.f32 v25, v31;
	v12 =	vperm.xlane v6, v2;
	v15 =	vadd.f32 v15, v29  }
0x1d3: {  	v61 =	vld [tilespmem:s0+$0xBDC0];
	v46 =	vmul.f32 v5, v5;
	v54 =	vadd.f32 v27, v51;
	v18 =	vadd.f32 v53, v18  }
0x1d4: {  	v50 =	vld [tilespmem:s3+$0x4130];
	v13 =	vadd.f32 v30, v22;
	v12 =	vadd.f32 v6, v12;
	v49 =	vperm.xlane v15, v2  }
0x1d5: {  	v55 =	vld [tilespmem:s3+$0x40C0];
	v29 =	vmul.f32 v4, v4;
	v27 =	vadd.f32 v24, v20;
	v20 =	vadd.f32 v47, v52  }
0x1d6: {  	v30 =	vld [tilespmem:s3+$0x4040];
	v6 =	vadd.f32 v14, v44;
	v14 =	vperm.xlane v12, v3;
	v15 =	vadd.f32 v49, v15  }
0x1d7: {  	v24 =	vld [tilespmem:s0+$0xBD40];
	v29 =	vadd.f32 v46, v29;
	v36 =	vadd.f32 v13, v48  }
0x1d8: {  	v22 =	vld [tilespmem:s0+$0xBE30];
	v62 =	vmul.f32 v13, v13;
	v12 =	vadd.f32 v12, v14;
	v14 =	vperm.xlane v15, v3  }
0x1d9: {  	v63 =	vld [tilespmem:s3+$0x4050];
	v31 =	vadd.f32 v27, v31;
	v33 =	vadd.f32 v6, v45;
	v57 =	vmul.f32 v6, v6  }
0x1da: {  	v40 =	vld [tilespmem:s3+$0x40D0];
	v37 =	vadd.f32 v62, v54;
	v14 =	vadd.f32 v14, v15;
	v12 =	vmul.f32 $7.812500000e-03, v12  }
0x1db: {  	v29 =	vadd.f32 v57, v29;
	v33 =	vadd.f32 v20, v33;
	v57 =	vld [tilespmem:s0+$0xBD50]  }
0x1dc: {  	v30 =	vadd.f32 v30, v24;
	v15 =	vld [tilespmem:s3+$0x4140];
	v59 =	vmul.f32 $7.812500000e-03, v14;
	v60 =	vmul.f32 v12, v12  }
0x1dd: {  	v47 =	vmul.f32 v27, v27;
	v24 =	vadd.f32 v55, v61;
	v14 =	vadd.f32 v50, v22;
	v22 =	vld [tilespmem:s0+$0xBE40]  }
0x1de: {  	v42 =	vld [tilespmem:s3+$0x4150];
	v31 =	vadd.f32 v30, v31;
	v32 =	vsub.f32 v59, v60  }
0x1df: {  	v43 =	vld [tilespmem:s3+$0x40E0];
	v48 =	vmul.f32 v20, v20;
	v41 =	vadd.f32 v24, v33;
	v50 =	vadd.f32 v47, v18  }
0x1e0: {  	v45 =	vld [tilespmem:s3+$0x4060];
	v61 =	vmul.f32 v30, v30;
	v9 =	vsub.f32 v19, v12;
	v32 =	vadd.f32 $1.000000050e-03, v32  }
0x1e1: {  	v38 =	vadd.f32 v63, v57;
	v63 =	vmul.f32 v24, v24;
	v36 =	vadd.f32 v14, v36;
	v59 =	vld [tilespmem:s0+$0xBDD0]  }
0x1e2: {  	v15 =	vadd.f32 v15, v22;
	v22 =	vld [tilespmem:s0+$0xBE50];
	[tilespmem:$0x1FC80] =	vst v9;
	v18 =	vshra.s32 v32, $0x1;
	v32 =	vmul.f32 $5.000000000e-01, v32  }
0x1e3: {  	v49 =	vmul.f32 v14, v14;
	v60 =	vadd.f32 v48, v29;
	v34 =	vld [tilespmem:s3+$0x4160];
	v52 =	vsub.s32 $0x5F3759DF, v18  }
0x1e4: {  	v44 =	vadd.f32 v61, v50;
	v9 =	vsub.f32 v28, v12;
	v48 =	vld [tilespmem:s0+$0xBD60];
	v29 =	vmul.f32 v52, v32  }
0x1e5: {  	v37 =	vadd.f32 v49, v37;
	v39 =	vadd.f32 v63, v60;
	v60 =	vmul.f32 v38, v38;
	v55 =	vld [tilespmem:s0+$0xBDE0]  }
0x1e6: {  	v57 =	vmul.f32 v15, v15;
	v62 =	vmul.f32 v52, v29;
	v29 =	vadd.f32 v40, v59;
	v59 =	vld [tilespmem:s0+$0xBE60];
	[tilespmem:$0x1FC70] =	vst v9  }
0x1e7: {  	v31 =	vadd.f32 v38, v31;
	v44 =	vadd.f32 v60, v44;
	v61 =	vld [tilespmem:s3+$0x4070]  }
0x1e8: {  	v36 =	vadd.f32 v15, v36;
	v37 =	vadd.f32 v57, v37;
	v40 =	vld [tilespmem:s3+$0x40F0]  }
0x1e9: {  	v22 =	vadd.f32 v42, v22;
	v9 =	vsub.f32 v26, v12;
	v46 =	vld [tilespmem:s3+$0x4170]  }
0x1ea: {  	v45 =	vadd.f32 v45, v48;
	v49 =	vld [tilespmem:s0+$0xBD70];
	v43 =	vadd.f32 v43, v55  }
0x1eb: {  	v50 =	vld [tilespmem:s0+$0xBDF0];
	v53 =	vsub.f32 $1.500000000e+00, v62;
	v41 =	vadd.f32 v29, v41;
	v28 =	vmul.f32 v29, v29  }
0x1ec: {  	v57 =	vld [tilespmem:s0+$0xBE70];
	v36 =	vadd.f32 v22, v36;
	v62 =	vmul.f32 v22, v22;
	[tilespmem:$0x1FC90] =	vst v9;
	v9 =	vsub.f32 v21, v12  }
0x1ed: {  	v31 =	vadd.f32 v45, v31;
	v39 =	vadd.f32 v28, v39  }
0x1ee: {  	v63 =	vmul.f32 v45, v45;
	v54 =	vadd.f32 v43, v41;
	v37 =	vadd.f32 v62, v37  }
0x1ef: {  	v55 =	vmul.f32 v43, v43;
	[tilespmem:$0x1FCA0] =	vst v9;
	v9 =	vsub.f32 v23, v12;
	v28 =	vadd.f32 v34, v59  }
0x1f0: {  	v59 =	vadd.f32 v63, v44;
	v26 =	vadd.f32 v61, v49  }
0x1f1: {  	v39 =	vadd.f32 v55, v39;
	v44 =	vadd.f32 v40, v50  }
0x1f2: {  	v42 =	vadd.f32 v46, v57;
	v21 =	vadd.f32 v26, v31;
	v31 =	vmul.f32 v26, v26  }
0x1f3: {  	v51 =	vadd.f32 v28, v36;
	v60 =	vmul.f32 v28, v28;
	v40 =	vmul.f32 v44, v44  }
0x1f4: {  	v34 =	vadd.f32 v44, v54;
	v23 =	vadd.f32 v31, v59  }
0x1f5: {  	v61 =	vadd.f32 v60, v37;
	v62 =	vperm.xlane v21, v0;
	v39 =	vadd.f32 v40, v39  }
0x1f6: {  	v63 =	vadd.f32 v42, v51;
	v54 =	vperm.xlane v34, v0;
	v48 =	vperm.xlane v23, v0  }
0x1f7: {  	v31 =	vmul.f32 v42, v42;
	v21 =	vadd.f32 v21, v62;
	v57 =	vperm.xlane v39, v0  }
0x1f8: {  	v55 =	vperm.xlane v63, v0;
	v34 =	vadd.f32 v34, v54;
	v23 =	vadd.f32 v48, v23  }
0x1f9: {  	v31 =	vadd.f32 v31, v61;
	v60 =	vperm.xlane v21, v1;
	v39 =	vadd.f32 v57, v39  }
0x1fa: {  	v41 =	vadd.f32 v63, v55;
	v61 =	vperm.xlane v34, v1;
	v62 =	vperm.xlane v23, v1  }
0x1fb: {  	v59 =	vperm.xlane v31, v0;
	v21 =	vadd.f32 v21, v60;
	v33 =	vperm.xlane v39, v1  }
0x1fc: {  	v63 =	vperm.xlane v41, v1;
	v34 =	vadd.f32 v34, v61;
	v23 =	vadd.f32 v62, v23  }
0x1fd: {  	v31 =	vadd.f32 v59, v31;
	v48 =	vperm.xlane v21, v2;
	v39 =	vadd.f32 v33, v39  }
0x1fe: {  	s11 =	sadd.s32 $0x4, s26;
	v41 =	vadd.f32 v41, v63;
	v50 =	vperm.xlane v34, v2;
	v51 =	vperm.xlane v23, v2  }
0x1ff: {  	s14 =	smulhi.u32 $0x51EB851F, s11;
	v35 =	vperm.xlane v31, v1;
	v21 =	vadd.f32 v21, v48;
	v55 =	vperm.xlane v39, v2  }
0x200: {  	v54 =	vperm.xlane v41, v2;
	v34 =	vadd.f32 v34, v50;
	v23 =	vadd.f32 v51, v23  }
0x201: {  	s3 =	sshrl.u32 s14, $0x6;
	v31 =	vadd.f32 v35, v31;
	v48 =	vperm.xlane v21, v3;
	v39 =	vadd.f32 v55, v39  }
0x202: {  	s16 =	smul.u32 $0xFFFE7000, s3;
	v40 =	vadd.f32 v41, v54;
	v59 =	vperm.xlane v34, v3;
	v60 =	vperm.xlane v23, v3  }
0x203: {  	v57 =	vperm.xlane v31, v2;
	v21 =	vadd.f32 v21, v48;
	v62 =	vperm.xlane v39, v3  }
0x204: {  	s3 =	simm.s32 $0x200;
	s7 =	sshra.s32 s16, $0x2;
	[tilespmem:$0x1FCB0] =	vst v9;
	v61 =	vperm.xlane v40, v3;
	v34 =	vadd.f32 v34, v59;
	v23 =	vadd.f32 v60, v23  }
0x205: {  	s7 =	sadd.s32 s7, s28;
	v46 =	vld [tilespmem:s3+$0xBEA0];
	v31 =	vadd.f32 v57, v31;
	v49 =	vmul.f32 $7.812500000e-03, v21;
	v39 =	vadd.f32 v62, v39  }
0x206: {  	s7 =	sadd.s32 $0x200, s7;
	v37 =	vld [tilespmem:s3+$0xBE90];
	v21 =	vadd.f32 v40, v61;
	v47 =	vmul.f32 $7.812500000e-03, v34;
	v54 =	vmul.f32 $7.812500000e-03, v23  }
0x207: {  	v60 =	vld [tilespmem:s7+$0x4190];
	v55 =	vmul.f32 v49, v49;
	v35 =	vsub.f32 v17, v49;
	v17 =	vmul.f32 $7.812500000e-03, v39  }
0x208: {  	v39 =	vld [tilespmem:s3+$0xBE80];
	v57 =	vsub.f32 v16, v49;
	v16 =	vmul.f32 v47, v47;
	v9 =	vsub.f32 v30, v49  }
0x209: {  	v61 =	vsub.f32 v27, v49;
	v34 =	vsub.f32 v54, v55;
	v55 =	vld [tilespmem:s7+$0x4180]  }
0x20a: {  	v27 =	vsub.f32 v17, v16;
	v16 =	vld [tilespmem:s7+$0x41A0];
	[tilespmem:$0x1FBF0] =	vst v9;
	v9 =	vsub.f32 v38, v49;
	_ =	sdelay $0x1  }
0x20b: {  	v30 =	vld [tilespmem:s3+$0xBEB0];
	[tilespmem:$0x1FC00] =	vst v9;
	v9 =	vsub.f32 v45, v49  }
0x20c: {  	v59 =	vadd.f32 $1.000000050e-03, v34  }
0x20d: {  	v63 =	vperm.xlane v31, v3;
	[tilespmem:$0x1FC10] =	vst v9;
	v9 =	vsub.f32 v26, v49  }
0x20e: {  	v17 =	vshra.s32 v59, $0x1;
	v18 =	vadd.f32 v55, v39  }
0x20f: {  	v31 =	vadd.f32 v63, v31;
	v10 =	vadd.f32 v60, v37;
	v33 =	vsub.s32 $0x5F3759DF, v17;
	v17 =	vld [tilespmem:s7+$0x41B0];
	[tilespmem:$0x1FC20] =	vst v9  }
0x210: {  	v63 =	vmul.f32 $7.812500000e-03, v21;
	v41 =	vsub.f32 v4, v47;
	v9 =	vadd.f32 v16, v46;
	v4 =	vld [tilespmem:s3+$0xBEC0];
	[tilespmem:$0x1FD60] =	vst v18  }
0x211: {  	[tilespmem:$0x1FD70] =	vst v10  }
0x212: {  	v62 =	vsub.f32 v25, v49;
	v54 =	vmul.f32 $7.812500000e-03, v31;
	v25 =	vmul.f32 v63, v63;
	v37 =	vld [tilespmem:s7+$0x41C0];
	[tilespmem:$0x1FD80] =	vst v9  }
0x213: {  	v49 =	vsub.f32 v5, v47;
	v5 =	vld [tilespmem:s3+$0xBED0]  }
0x214: {  	v23 =	vsub.f32 v54, v25;
	v40 =	vld [tilespmem:s7+$0x41D0]  }
0x215: {  	v39 =	vmul.f32 v10, v10;
	v38 =	vadd.f32 v10, v18;
	v54 =	vld [tilespmem:s7+$0x41E0];
	v10 =	vadd.f32 v17, v30  }
0x216: {  	v25 =	vmul.f32 $5.000000000e-01, v59;
	v59 =	vsub.f32 v6, v47;
	v6 =	vsub.f32 v20, v47;
	v60 =	vld [tilespmem:s3+$0xBEF0]  }
0x217: {  	v17 =	vld [tilespmem:s3+$0xBEE0];
	[tilespmem:$0x1FD90] =	vst v10  }
0x218: {  	v55 =	vld [tilespmem:s7+$0x41F0];
	[tilespmem:$0x1FC30] =	vst v6  }
0x219: {  	v51 =	vsub.f32 v24, v47;
	v36 =	vmul.f32 v33, v25;
	v20 =	vld [tilespmem:s7+$0x4000]  }
0x21a: {  	v50 =	vmul.f32 v9, v9;
	v48 =	vadd.f32 v9, v38;
	v9 =	vsub.f32 v29, v47;
	v19 =	vld [tilespmem:s7+$0x4010]  }
0x21b: {  	v16 =	vmul.f32 v18, v18;
	v18 =	vsub.f32 v43, v47;
	v32 =	vmul.f32 v33, v36;
	v24 =	vld [tilespmem:s7+$0x4080]  }
0x21c: {  	v6 =	vadd.f32 v40, v5;
	v5 =	vadd.f32 v54, v17;
	v17 =	vld [tilespmem:s7+$0x4090];
	[tilespmem:$0x1FC40] =	vst v9  }
0x21d: {  	v25 =	vsub.f32 $1.500000000e+00, v32;
	v32 =	vadd.f32 v10, v48;
	v29 =	vld [tilespmem:s7+$0x4100]  }
0x21e: {  	v36 =	vmul.f32 v10, v10;
	v4 =	vadd.f32 v37, v4;
	v10 =	vld [tilespmem:s7+$0x4110];
	[tilespmem:$0x1FC50] =	vst v18;
	v18 =	vsub.f32 v44, v47  }
0x21f: {  	v16 =	vadd.f32 v39, v16  }
0x220: {  	v8 =	vsub.f32 v8, v63;
	v32 =	vadd.f32 v4, v32;
	[tilespmem:$0x1FC60] =	vst v18  }
0x221: {  	v16 =	vadd.f32 v50, v16;
	v48 =	vld [tilespmem:s3+$0xBD00]  }
0x222: {  	v32 =	vadd.f32 v6, v32;
	v50 =	vld [tilespmem:s3+$0xBD10];
	[tilespmem:$0x1FCC0] =	vst v8;
	v8 =	vsub.f32 v11, v63  }
0x223: {  	v16 =	vadd.f32 v36, v16;
	v37 =	vmul.f32 v4, v4;
	v9 =	vadd.f32 v55, v60  }
0x224: {  	v32 =	vadd.f32 v5, v32;
	[tilespmem:$0x1FCD0] =	vst v8;
	v8 =	vsub.f32 v13, v63  }
0x225: {  	v38 =	vmul.f32 v6, v6;
	v16 =	vadd.f32 v37, v16;
	[tilespmem:$0x1FD50] =	vst v9  }
0x226: {  	v60 =	vmul.f32 v9, v9;
	v32 =	vadd.f32 v9, v32;
	v9 =	vld [tilespmem:s3+$0xBD80];
	[tilespmem:$0x1FCE0] =	vst v8;
	v8 =	vsub.f32 v14, v63;
	_ =	sdelay $0x1  }
0x227: {  	v39 =	vmul.f32 v5, v5;
	v16 =	vadd.f32 v38, v16;
	v13 =	vld [tilespmem:s3+$0xBD90];
	[tilespmem:$0x1FCF0] =	vst v8;
	v8 =	vsub.f32 v15, v63;
	_ =	sdelay $0x1  }
0x228: {  	v16 =	vadd.f32 v39, v16;
	[tilespmem:$0x1FD00] =	vst v8;
	v8 =	vsub.f32 v22, v63;
	_ =	sdelay $0x1  }
0x229: {  	v11 =	vadd.f32 v60, v16;
	v16 =	vperm.xlane v32, v0;
	v34 =	vld [tilespmem:s3+$0xBE00];
	[tilespmem:$0x1FD10] =	vst v8;
	v8 =	vsub.f32 v28, v63;
	_ =	sdelay $0x1  }
0x22a: {  	v14 =	vadd.f32 v32, v16;
	v15 =	vperm.xlane v11, v0;
	v22 =	vld [tilespmem:s3+$0xBE10];
	[tilespmem:$0x1FD20] =	vst v8;
	v8 =	vsub.f32 v42, v63;
	_ =	sdelay $0x1  }
0x22b: {  	v37 =	vadd.f32 v15, v11;
	v15 =	vperm.xlane v14, v1;
	[tilespmem:$0x1FD30] =	vst v8  }
0x22c: {  	v16 =	vsub.f32 v58, v12;
	v11 =	vsub.f32 v56, v12;
	v28 =	vld [tilespmem:s7+$0x4020]  }
0x22d: {  	v12 =	vsub.f32 v7, v12;
	v7 =	vadd.f32 v14, v15;
	v36 =	vld [tilespmem:s7+$0x40A0]  }
0x22e: {  	v38 =	vld [tilespmem:s7+$0x4120]  }
0x22f: {  	v60 =	vadd.f32 v20, v48;
	v15 =	vadd.f32 v17, v13;
	v17 =	vperm.xlane v7, v2;
	v20 =	vld [tilespmem:s3+$0xBD20]  }
0x230: {  	v27 =	vadd.f32 $1.000000050e-03, v27;
	v44 =	vadd.f32 v19, v50;
	v19 =	vld [tilespmem:s3+$0xBDA0]  }
0x231: {  	v23 =	vadd.f32 $1.000000050e-03, v23;
	v8 =	vperm.xlane v37, v1;
	v39 =	vadd.f32 v7, v17;
	v13 =	vld [tilespmem:s3+$0xBE20];
	[tilespmem:$0x1FDA0] =	vst v60  }
0x232: {  	v14 =	vadd.f32 v24, v9;
	v24 =	vmul.f32 v60, v60;
	v9 =	vadd.f32 v29, v34;
	[tilespmem:$0x1FDB0] =	vst v44  }
0x233: {  	v29 =	vmul.f32 v44, v44;
	v8 =	vadd.f32 v8, v37;
	v30 =	vld [tilespmem:s7+$0x4030];
	v43 =	vperm.xlane v39, v3  }
0x234: {  	v58 =	vmul.f32 v33, v25;
	v18 =	vmul.f32 v14, v14;
	v10 =	vadd.f32 v10, v22;
	v32 =	vld [tilespmem:s7+$0x40B0]  }
0x235: {  	v24 =	vadd.f32 v29, v24;
	v34 =	vld [tilespmem:s7+$0x4130];
	v7 =	vperm.xlane v8, v2;
	v47 =	vadd.f32 v39, v43  }
0x236: {  	v63 =	vld [tilespmem:s3+$0xBD30];
	v50 =	vadd.f32 v28, v20;
	v17 =	vadd.f32 v36, v19;
	v28 =	vmul.f32 v15, v15  }
0x237: {  	v45 =	vld [tilespmem:s3+$0xBDB0];
	v21 =	vadd.f32 v7, v8;
	v7 =	vmul.f32 v52, v53;
	v53 =	vmul.f32 $5.000000000e-01, v23  }
0x238: {  	v22 =	vld [tilespmem:s3+$0xBE30];
	v13 =	vadd.f32 v38, v13;
	v19 =	vmul.f32 v9, v9;
	v8 =	vmul.f32 v10, v10  }
0x239: {  	v56 =	vld [tilespmem:s7+$0x4040];
	v29 =	vadd.f32 v28, v18;
	v28 =	vshra.s32 v27, $0x1;
	v27 =	vmul.f32 $5.000000000e-01, v27  }
0x23a: {  	v38 =	vld [tilespmem:s7+$0x40C0];
	v23 =	vshra.s32 v23, $0x1;
	[tilespmem:$0x1FDC0] =	vst v50;
	v18 =	vperm.xlane v21, v3;
	v28 =	vsub.s32 $0x5F3759DF, v28  }
0x23b: {  	v23 =	vsub.s32 $0x5F3759DF, v23;
	v19 =	vadd.f32 v8, v19;
	v37 =	vld [tilespmem:s7+$0x4140];
	v8 =	vmul.f32 v28, v27  }
0x23c: {  	v20 =	vmul.f32 v50, v50;
	v43 =	vmul.f32 v17, v17;
	v27 =	vld [tilespmem:s3+$0xBD40];
	v18 =	vadd.f32 v18, v21  }
0x23d: {  	v48 =	vadd.f32 v30, v63;
	v42 =	vld [tilespmem:s3+$0xBDC0];
	v30 =	vmul.f32 v28, v8;
	v8 =	vmul.f32 $7.812500000e-03, v47  }
0x23e: {  	v33 =	vld [tilespmem:s3+$0xBE40];
	v63 =	vmul.f32 $7.812500000e-03, v18;
	v18 =	vadd.f32 v34, v22;
	v22 =	vmul.f32 v13, v13  }
0x23f: {  	v36 =	vld [tilespmem:s7+$0x4050];
	v21 =	vadd.f32 v20, v24;
	v24 =	vmul.f32 v23, v53;
	v30 =	vsub.f32 $1.500000000e+00, v30  }
0x240: {  	v31 =	vld [tilespmem:s7+$0x40D0];
	v20 =	vadd.f32 v32, v45;
	[tilespmem:$0x1FDD0] =	vst v48;
	v45 =	vmul.f32 v8, v8;
	v47 =	vadd.f32 v22, v19  }
0x241: {  	v19 =	vmul.f32 v23, v24;
	v30 =	vmul.f32 v28, v30;
	v28 =	vadd.f32 v56, v27;
	v27 =	vld [tilespmem:s3+$0xBDD0]  }
0x242: {  	v46 =	vmul.f32 v48, v48;
	v29 =	vadd.f32 v43, v29  }
0x243: {  	v26 =	vld [tilespmem:s3+$0xBD50];
	v43 =	vmul.f32 v20, v20;
	v39 =	vsub.f32 v63, v45;
	v63 =	vsub.f32 $1.500000000e+00, v19  }
0x244: {  	v24 =	vadd.f32 v46, v21;
	v22 =	vadd.f32 v38, v42;
	v45 =	vmul.f32 v28, v28  }
0x245: {  	v19 =	vadd.f32 v37, v33;
	v37 =	vmul.f32 v23, v63;
	v23 =	vadd.f32 v43, v29  }
0x246: {  	v33 =	vadd.f32 v45, v24;
	v24 =	vadd.f32 v31, v27;
	v27 =	vmul.f32 v22, v22;
	_ =	sdelay $0x1  }
0x247: {  	v29 =	vadd.f32 v36, v26;
	v26 =	vadd.f32 v27, v23;
	v23 =	vld [tilespmem:$0x1FBF0]  }
0x248: {  	v40 =	vld [tilespmem:s7+$0x4150]  }
0x249: {  	v25 =	vld [tilespmem:s3+$0xBE50];
	_ =	sdelay $0x1  }
0x24a: {  	v54 =	vmul.f32 v58, v35;
	v35 =	vld [tilespmem:s7+$0x40E0];
	v21 =	vmul.f32 v18, v18  }
0x24b: {  	v56 =	vmul.f32 v58, v61;
	v61 =	vmul.f32 v58, v23;
	v23 =	vld [tilespmem:$0x1FC00]  }
0x24c: {  	v46 =	vld [tilespmem:s7+$0x4060]  }
0x24d: {  	v34 =	vadd.f32 v21, v47;
	v21 =	vadd.f32 v40, v25;
	v47 =	vld [tilespmem:s3+$0xBDE0];
	v25 =	vmul.f32 v19, v19  }
0x24e: {  	v36 =	vld [tilespmem:s7+$0x4160]  }
0x24f: {  	v55 =	vmul.f32 v58, v57;
	v32 =	vadd.f32 v25, v34;
	v25 =	vld [tilespmem:$0x1FC20]  }
0x250: {  	v57 =	vmul.f32 v58, v62;
	v62 =	vmul.f32 v58, v23;
	v23 =	vld [tilespmem:$0x1FC10]  }
0x251: {  	v31 =	vld [tilespmem:s3+$0xBD60]  }
0x252: {  	v45 =	vld [tilespmem:s3+$0xBE60]  }
0x253: {  	v27 =	vmul.f32 v29, v29  }
0x254: {  	v25 =	vmul.f32 v58, v25  }
0x255: {  	v33 =	vadd.f32 v27, v33;
	v63 =	vmul.f32 v58, v23;
	v23 =	vmul.f32 v24, v24  }
0x256: {  	v27 =	vadd.f32 v35, v47;
	v31 =	vadd.f32 v46, v31  }
0x257: {  	[tilespmem:$0x1FD40] =	vst v25;
	v25 =	vmul.f32 v21, v21;
	v46 =	vadd.f32 v23, v26;
	v23 =	vadd.f32 v36, v45;
	_ =	sdelay $0x1  }
0x258: {  	v53 =	vmul.f32 v27, v27;
	v32 =	vadd.f32 v25, v32;
	v25 =	vmul.f32 v23, v23  }
0x259: {  	v39 =	vadd.f32 $1.000000050e-03, v39  }
0x25a: {  	v43 =	vadd.f32 v53, v46;
	v46 =	vmul.f32 v30, v41;
	v41 =	vadd.f32 v25, v32;
	v25 =	vld [tilespmem:$0x1FC30];
	_ =	sdelay $0x1  }
0x25b: {  	v47 =	vmul.f32 $5.000000000e-01, v39;
	v39 =	vshra.s32 v39, $0x1;
	v26 =	vmul.f32 v31, v31  }
0x25c: {  	v36 =	vsub.s32 $0x5F3759DF, v39  }
0x25d: {  	v42 =	vadd.f32 v26, v33;
	v26 =	vmul.f32 v36, v47  }
0x25e: {  	v47 =	vmul.f32 v30, v49;
	v49 =	vmul.f32 v30, v25;
	v25 =	vld [tilespmem:$0x1FC40];
	_ =	sdelay $0x1  }
0x25f: {  	v38 =	vld [tilespmem:s7+$0x4070]  }
0x260: {  	v58 =	vld [tilespmem:s3+$0xBD70];
	_ =	sdelay $0x1  }
0x261: {  	v53 =	vmul.f32 v30, v25;
	v25 =	vld [tilespmem:$0x1FC50]  }
0x262: {  	v35 =	vld [tilespmem:s7+$0x40F0]  }
0x263: {  	v52 =	vld [tilespmem:s7+$0x4170]  }
0x264: {  	v33 =	vld [tilespmem:s3+$0xBE70];
	v34 =	vadd.f32 v38, v58;
	v58 =	vadd.f32 v15, v14  }
0x265: {  	v40 =	vld [tilespmem:s3+$0xBDF0];
	v45 =	vmul.f32 v30, v59  }
0x266: {  	v32 =	vadd.f32 v17, v58;
	v58 =	vld [tilespmem:$0x1FC90];
	v59 =	vmul.f32 v30, v25;
	v25 =	vadd.f32 v44, v60  }
0x267: {  	v26 =	vmul.f32 v36, v26;
	v60 =	vld [tilespmem:$0x1FC60]  }
0x268: {  	v44 =	vadd.f32 v50, v25;
	v50 =	vld [tilespmem:$0x1FC70]  }
0x269: {  	v26 =	vsub.f32 $1.500000000e+00, v26;
	v25 =	vadd.f32 v52, v33;
	v52 =	vld [tilespmem:$0x1FC80];
	_ =	sdelay $0x1  }
0x26a: {  	v51 =	vmul.f32 v30, v51;
	v26 =	vmul.f32 v36, v26;
	v36 =	vadd.f32 v48, v44  }
0x26b: {  	v44 =	vld [tilespmem:$0x1FCA0];
	v60 =	vmul.f32 v30, v60;
	v30 =	vadd.f32 v35, v40;
	v40 =	vadd.f32 v10, v9  }
0x26c: {  	v48 =	vld [tilespmem:$0x1FCB0];
	v33 =	vmul.f32 v7, v50  }
0x26d: {  	v35 =	vadd.f32 v13, v40;
	v40 =	vmul.f32 v7, v52;
	v52 =	vmul.f32 v7, v58;
	v58 =	vld [tilespmem:$0x1FCD0];
	_ =	sdelay $0x1  }
0x26e: {  	v50 =	vld [tilespmem:$0x1FCC0];
	[tilespmem:s0+$0x13EF0] =	vst v33  }
0x26f: {  	v33 =	vld [tilespmem:$0x1FCE0];
	[tilespmem:s0+$0x13E80] =	vst v40  }
0x270: {  	v38 =	vmul.f32 v7, v44;
	v40 =	vld [tilespmem:$0x1FCF0]  }
0x271: {  	v32 =	vadd.f32 v20, v32;
	v39 =	vmul.f32 v7, v48;
	v48 =	vmul.f32 v37, v58;
	v58 =	vld [tilespmem:$0x1FD00];
	[tilespmem:s0+$0x13E90] =	vst v52  }
0x272: {  	v36 =	vadd.f32 v28, v36;
	v52 =	vld [tilespmem:$0x1FD10];
	[tilespmem:s0+$0x13EA0] =	vst v38  }
0x273: {  	v32 =	vadd.f32 v22, v32;
	v38 =	vld [tilespmem:$0x1FD20];
	[tilespmem:s0+$0x13EB0] =	vst v39  }
0x274: {  	v36 =	vadd.f32 v29, v36;
	v35 =	vadd.f32 v18, v35;
	v39 =	vld [tilespmem:$0x1FD30];
	[tilespmem:s0+$0x13D00] =	vst v54  }
0x275: {  	v32 =	vadd.f32 v24, v32;
	[tilespmem:s0+$0x13D10] =	vst v55  }
0x276: {  	v36 =	vadd.f32 v31, v36;
	v35 =	vadd.f32 v19, v35;
	[tilespmem:s0+$0x13D20] =	vst v57  }
0x277: {  	v32 =	vadd.f32 v27, v32;
	[tilespmem:s0+$0x13D30] =	vst v56  }
0x278: {  	v36 =	vadd.f32 v34, v36;
	v35 =	vadd.f32 v21, v35;
	[tilespmem:s0+$0x13D40] =	vst v61  }
0x279: {  	v32 =	vadd.f32 v30, v32;
	v44 =	vmul.f32 v37, v50;
	[tilespmem:s0+$0x13D50] =	vst v62  }
0x27a: {  	v33 =	vmul.f32 v37, v33;
	v35 =	vadd.f32 v23, v35;
	v54 =	vperm.xlane v36, v0;
	[tilespmem:s0+$0x13D60] =	vst v63  }
0x27b: {  	v55 =	vperm.xlane v32, v0;
	v40 =	vmul.f32 v37, v40;
	v62 =	vld [tilespmem:$0x1FD40]  }
0x27c: {  	v50 =	vmul.f32 v37, v58;
	v35 =	vadd.f32 v25, v35;
	v52 =	vmul.f32 v37, v52  }
0x27d: {  	v58 =	vmul.f32 v37, v38;
	v38 =	vmul.f32 v34, v34  }
0x27e: {  	v36 =	vadd.f32 v36, v54;
	v57 =	vperm.xlane v35, v0;
	v39 =	vmul.f32 v37, v39  }
0x27f: {  	[tilespmem:s0+$0x13D80] =	vst v46;
	v37 =	vadd.f32 v38, v42;
	v38 =	vmul.f32 v30, v30;
	v42 =	vmul.f32 v25, v25  }
0x280: {  	v32 =	vadd.f32 v32, v55;
	v35 =	vadd.f32 v35, v57;
	v57 =	vperm.xlane v36, v1;
	[tilespmem:s0+$0x13D70] =	vst v62  }
0x281: {  	v46 =	vld [tilespmem:$0x1FD50];
	[tilespmem:s0+$0x13D90] =	vst v47;
	v38 =	vadd.f32 v38, v43;
	v41 =	vadd.f32 v42, v41;
	v42 =	vperm.xlane v37, v0  }
0x282: {  	v55 =	vperm.xlane v32, v1;
	v36 =	vadd.f32 v36, v57;
	v47 =	vld [tilespmem:$0x1FD60];
	[tilespmem:s0+$0x13DA0] =	vst v45  }
0x283: {  	v63 =	vperm.xlane v35, v1;
	[tilespmem:s0+$0x13DB0] =	vst v49;
	v37 =	vadd.f32 v42, v37;
	v42 =	vperm.xlane v38, v0  }
0x284: {  	v32 =	vadd.f32 v32, v55;
	v57 =	vld [tilespmem:$0x1FD70];
	[tilespmem:s0+$0x13DC0] =	vst v51;
	v61 =	vperm.xlane v41, v0  }
0x285: {  	[tilespmem:s0+$0x13DD0] =	vst v53;
	v35 =	vadd.f32 v35, v63;
	v56 =	vperm.xlane v36, v2;
	v38 =	vadd.f32 v42, v38  }
0x286: {  	[tilespmem:s0+$0x13DE0] =	vst v59;
	v41 =	vadd.f32 v61, v41;
	v61 =	vperm.xlane v37, v1;
	v46 =	vsub.f32 v46, v8  }
0x287: {  	v49 =	vld [tilespmem:$0x1FD80];
	[tilespmem:s0+$0x13DF0] =	vst v60;
	v36 =	vadd.f32 v36, v56;
	v63 =	vperm.xlane v35, v2;
	v47 =	vsub.f32 v47, v8  }
0x288: {  	v51 =	vld [tilespmem:$0x1FD90];
	[tilespmem:s0+$0x13E00] =	vst v44;
	v37 =	vadd.f32 v61, v37;
	v54 =	vperm.xlane v38, v1;
	v55 =	vperm.xlane v41, v1  }
0x289: {  	[tilespmem:s0+$0x13E10] =	vst v48;
	v45 =	vmul.f32 v26, v46;
	v46 =	vsub.f32 v57, v8;
	v61 =	vperm.xlane v32, v2  }
0x28a: {  	[tilespmem:s0+$0x13E20] =	vst v33;
	v35 =	vadd.f32 v35, v63;
	v56 =	vperm.xlane v36, v3;
	v47 =	vmul.f32 v26, v47  }
0x28b: {  	[tilespmem:s0+$0x13E30] =	vst v40;
	v38 =	vadd.f32 v54, v38;
	v41 =	vadd.f32 v55, v41;
	v62 =	vperm.xlane v37, v2  }
0x28c: {  	[tilespmem:s0+$0x13E40] =	vst v50;
	v49 =	vsub.f32 v49, v8;
	v46 =	vmul.f32 v26, v46;
	v32 =	vadd.f32 v32, v61  }
0x28d: {  	[tilespmem:s0+$0x13E50] =	vst v52;
	v37 =	vadd.f32 v62, v37;
	v54 =	vperm.xlane v38, v2;
	v55 =	vperm.xlane v41, v2  }
0x28e: {  	v51 =	vsub.f32 v51, v8;
	v61 =	vadd.f32 v36, v56;
	[tilespmem:s3+$0x13EF0] =	vst v45;
	v57 =	vperm.xlane v32, v3  }
0x28f: {  	v56 =	vld [tilespmem:$0x1FDA0];
	[tilespmem:s0+$0x13E60] =	vst v58;
	v38 =	vadd.f32 v54, v38;
	v59 =	vperm.xlane v37, v3;
	v41 =	vadd.f32 v55, v41  }
0x290: {  	v60 =	vperm.xlane v35, v3;
	v62 =	vadd.f32 v32, v57;
	v32 =	vmul.f32 $7.812500000e-03, v61;
	v57 =	vld [tilespmem:$0x1FDB0];
	[tilespmem:s0+$0x13E70] =	vst v39  }
0x291: {  	v61 =	vld [tilespmem:$0x1FDC0];
	v63 =	vperm.xlane v38, v3;
	v37 =	vadd.f32 v59, v37;
	v53 =	vperm.xlane v41, v3  }
0x292: {  	v35 =	vadd.f32 v35, v60;
	[tilespmem:s3+$0x13E80] =	vst v47;
	v33 =	vmul.f32 $7.812500000e-03, v62;
	v55 =	vmul.f32 v32, v32  }
0x293: {  	v42 =	vadd.f32 v63, v38;
	v54 =	vmul.f32 $7.812500000e-03, v37;
	v40 =	vadd.f32 v53, v41;
	v63 =	vld [tilespmem:$0x1FDD0]  }
0x294: {  	v38 =	vmul.f32 $7.812500000e-03, v35;
	v41 =	vsub.f32 v56, v32;
	v58 =	vmul.f32 v33, v33  }
0x295: {  	v37 =	vsub.f32 v57, v32;
	v42 =	vmul.f32 $7.812500000e-03, v42;
	v60 =	vsub.f32 v54, v55  }
0x296: {  	v59 =	vmul.f32 $7.812500000e-03, v40;
	v36 =	vsub.f32 v61, v32;
	v62 =	vmul.f32 v38, v38  }
0x297: {  	s2 =	sadd.s32 s6, s2;
	v40 =	vmul.f32 v26, v49;
	v43 =	vsub.f32 v42, v58;
	v44 =	vadd.f32 $1.000000050e-03, v60  }
0x298: {  	s8 =	simm.s32 $0x800;
	s11 =	sadd.s32 $0x4, s11;
	s7 =	simm.s32 $0x4;
	[tilespmem:s3+$0x13E90] =	vst v46;
	v39 =	vsub.f32 v59, v62;
	v42 =	vmul.f32 v26, v51;
	v35 =	vsub.f32 v63, v32  }
.LBB2_5:
0x299: {  	s10 =	smulhi.u32 $0x51EB851F, s11;
	v28 =	vsub.f32 v28, v32;
	v43 =	vadd.f32 $1.000000050e-03, v43;
	[tilespmem:s3+$0x13EA0] =	vst v40;
	v16 =	vmul.f32 v7, v16  }
0x29a: {  	s7 =	sadd.s32 $0x4, s7;
	v40 =	vshra.s32 v44, $0x1;
	v44 =	vmul.f32 $5.000000000e-01, v44;
	v39 =	vadd.f32 $1.000000050e-03, v39;
	[tilespmem:s3+$0x13EB0] =	vst v42  }
0x29b: {  	p0 =	slt.u32 s7, $0x7C;
	s10 =	sshrl.u32 s10, $0x6;
	v40 =	vsub.s32 $0x5F3759DF, v40;
	v42 =	vshra.s32 v43, $0x1;
	v43 =	vmul.f32 $5.000000000e-01, v43;
	[tilespmem:s0+$0x13EC0] =	vst v16  }
0x29c: {  	s8 =	sadd.s32 $0x800, s8;
	s10 =	smul.u32 $0xFFFE7000, s10;
	v16 =	vsub.s32 $0x5F3759DF, v42;
	v42 =	vshra.s32 v39, $0x1;
	v39 =	vmul.f32 $5.000000000e-01, v39  }
0x29d: {  	s14 =	sshra.s32 s8, $0x2;
	v44 =	vmul.f32 v40, v44;
	v43 =	vmul.f32 v16, v43;
	v42 =	vsub.s32 $0x5F3759DF, v42  }
0x29e: {  	v46 =	vsub.f32 v29, v32;
	v31 =	vsub.f32 v31, v32;
	s10 =	sshra.s32 s10, $0x2;
	v45 =	vld [tilespmem:s14+$0xBEA0];
	v29 =	vmul.f32 v42, v39  }
0x29f: {  	v34 =	vsub.f32 v34, v32;
	v44 =	vmul.f32 v40, v44;
	s10 =	sadd.s32 s10, s28;
	v39 =	vld [tilespmem:s14+$0xBE80];
	v32 =	vmul.f32 v16, v43  }
0x2a0: {  	v47 =	vsub.f32 v14, v33;
	v15 =	vsub.f32 v15, v33;
	s12 =	sadd.s32 s14, s10;
	v43 =	vld [tilespmem:s14+$0xBE90];
	v14 =	vmul.f32 v42, v29  }
0x2a1: {  	v11 =	vmul.f32 v7, v11;
	v44 =	vsub.f32 $1.500000000e+00, v44;
	v29 =	vld [tilespmem:s12+$0x4180];
	v32 =	vsub.f32 $1.500000000e+00, v32  }
0x2a2: {  	v49 =	vsub.f32 v17, v33;
	v12 =	vmul.f32 v7, v12;
	v7 =	vmovc v26;
	v48 =	vld [tilespmem:s12+$0x4190];
	v17 =	vsub.f32 $1.500000000e+00, v14  }
0x2a3: {  	v20 =	vsub.f32 v20, v33;
	v40 =	vmul.f32 v40, v44;
	v26 =	vld [tilespmem:s12+$0x41A0];
	v14 =	vmul.f32 v16, v32;
	[tilespmem:s0+$0x13ED0] =	vst v11  }
0x2a4: {  	v50 =	vsub.f32 v24, v33;
	v44 =	vsub.f32 v22, v33;
	v11 =	vld [tilespmem:s14+$0xBEB0];
	v32 =	vmul.f32 v42, v17;
	[tilespmem:s0+$0x13EE0] =	vst v12;
	s0 =	smov.u32 s3;
	s3 =	smov.u32 s14  }
0x2a5: {  	v16 =	vmul.f32 v40, v41;
	v41 =	vsub.f32 v27, v33;
	v42 =	vsub.f32 v30, v33;
	v12 =	vld [tilespmem:s12+$0x41B0]  }
0x2a6: {  	v9 =	vsub.f32 v9, v38;
	v22 =	vmul.f32 v40, v37;
	v17 =	vsub.f32 v10, v38;
	v27 =	vld [tilespmem:s3+$0xBEC0]  }
0x2a7: {  	v24 =	vadd.f32 v29, v39;
	v30 =	vadd.f32 v48, v43;
	v10 =	vld [tilespmem:s12+$0x41C0];
	[tilespmem:s0+$0x13D00] =	vst v16;
	v16 =	vmul.f32 v40, v36  }
0x2a8: {  	v33 =	vadd.f32 v26, v45;
	v36 =	vld [tilespmem:s3+$0xBED0];
	[tilespmem:s0+$0x13D10] =	vst v22;
	v26 =	vmul.f32 v40, v35;
	v22 =	vsub.f32 v13, v38  }
0x2a9: {  	v13 =	vmul.f32 v24, v24;
	v37 =	vadd.f32 v30, v24;
	v39 =	vmul.f32 v30, v30;
	v43 =	vld [tilespmem:s12+$0x41D0];
	[tilespmem:s0+$0x13D20] =	vst v16  }
0x2aa: {  	v29 =	vsub.f32 v18, v38;
	v35 =	vadd.f32 v12, v11;
	v11 =	vld [tilespmem:s3+$0xBEE0];
	[tilespmem:s0+$0x13D30] =	vst v26;
	v12 =	vmul.f32 v40, v28  }
0x2ab: {  	v18 =	vmul.f32 v33, v33;
	v13 =	vadd.f32 v39, v13;
	v16 =	vadd.f32 v33, v37;
	v28 =	vld [tilespmem:s12+$0x41E0]  }
0x2ac: {  	v26 =	vsub.f32 v19, v38;
	v10 =	vadd.f32 v10, v27;
	v37 =	vld [tilespmem:s3+$0xBEF0];
	[tilespmem:s0+$0x13D40] =	vst v12;
	v12 =	vmul.f32 v40, v46  }
0x2ad: {  	v13 =	vadd.f32 v18, v13;
	v16 =	vadd.f32 v35, v16;
	v18 =	vmul.f32 v35, v35;
	v19 =	vld [tilespmem:s12+$0x41F0]  }
0x2ae: {  	v27 =	vsub.f32 v21, v38;
	v39 =	vld [tilespmem:s12+$0x4000];
	v36 =	vadd.f32 v43, v36;
	[tilespmem:s0+$0x13D50] =	vst v12;
	v12 =	vmul.f32 v40, v31  }
0x2af: {  	v21 =	vld [tilespmem:s12+$0x4010];
	v13 =	vadd.f32 v18, v13;
	v16 =	vadd.f32 v10, v16;
	v18 =	vmul.f32 v10, v10  }
0x2b0: {  	v23 =	vsub.f32 v23, v38;
	v43 =	vld [tilespmem:s12+$0x4080];
	v28 =	vadd.f32 v28, v11;
	[tilespmem:s0+$0x13D60] =	vst v12;
	v11 =	vmul.f32 v40, v34  }
0x2b1: {  	v34 =	vld [tilespmem:s12+$0x4090];
	v12 =	vadd.f32 v18, v13;
	v13 =	vadd.f32 v36, v16;
	v16 =	vmul.f32 v36, v36  }
0x2b2: {  	v25 =	vsub.f32 v25, v38;
	v18 =	vld [tilespmem:s12+$0x4100];
	v31 =	vadd.f32 v19, v37;
	[tilespmem:s0+$0x13D70] =	vst v11;
	v11 =	vmul.f32 v14, v47  }
0x2b3: {  	v37 =	vmul.f32 v28, v28;
	v19 =	vld [tilespmem:s12+$0x4110];
	v12 =	vadd.f32 v16, v12;
	v13 =	vadd.f32 v28, v13  }
0x2b4: {  	v15 =	vmul.f32 v14, v15;
	v16 =	vsub.f32 v4, v8;
	v38 =	vld [tilespmem:s3+$0xBD00];
	[tilespmem:s0+$0x13D80] =	vst v11;
	v11 =	vsub.f32 v6, v8  }
0x2b5: {  	v4 =	vmovc v10;
	v40 =	vld [tilespmem:s3+$0xBD10];
	v46 =	vadd.f32 v37, v12;
	v13 =	vadd.f32 v31, v13;
	v37 =	vmul.f32 v31, v31  }
0x2b6: {  	v20 =	vmul.f32 v14, v20;
	v12 =	vsub.f32 v5, v8;
	v10 =	vld [tilespmem:s3+$0xBD80];
	[tilespmem:s0+$0x13D90] =	vst v15;
	v15 =	vmul.f32 v14, v49  }
0x2b7: {  	v44 =	vmul.f32 v14, v44;
	v6 =	vmovc v36;
	v8 =	vld [tilespmem:s3+$0xBD90];
	v45 =	vadd.f32 v37, v46;
	v37 =	vperm.xlane v13, v0  }
0x2b8: {  	v41 =	vmul.f32 v14, v41;
	v5 =	vmov v28;
	v46 =	vld [tilespmem:s3+$0xBE00];
	[tilespmem:s0+$0x13DA0] =	vst v15;
	v15 =	vmul.f32 v14, v50  }
0x2b9: {  	v36 =	vadd.f32 v39, v38;
	v28 =	vld [tilespmem:s3+$0xBE10];
	v13 =	vadd.f32 v13, v37;
	v38 =	vperm.xlane v45, v0;
	[tilespmem:s0+$0x13DB0] =	vst v20  }
0x2ba: {  	v39 =	vmul.f32 v32, v9;
	v37 =	vadd.f32 v21, v40;
	v20 =	vld [tilespmem:s12+$0x4020];
	[tilespmem:s0+$0x13DC0] =	vst v44;
	v21 =	vmul.f32 v14, v42  }
0x2bb: {  	v14 =	vadd.f32 v43, v10;
	v40 =	vld [tilespmem:s12+$0x40A0];
	v10 =	vperm.xlane v13, v1;
	v38 =	vadd.f32 v38, v45;
	[tilespmem:s0+$0x13DD0] =	vst v15  }
0x2bc: {  	v42 =	vmul.f32 v36, v36;
	v43 =	vadd.f32 v37, v36;
	v15 =	vadd.f32 v34, v8;
	v8 =	vld [tilespmem:s12+$0x4120];
	[tilespmem:s0+$0x13DE0] =	vst v41  }
0x2bd: {  	v34 =	vld [tilespmem:s3+$0xBD20];
	v9 =	vadd.f32 v18, v46;
	v13 =	vadd.f32 v13, v10;
	v18 =	vperm.xlane v38, v1;
	[tilespmem:s0+$0x13DF0] =	vst v21  }
0x2be: {  	v21 =	vmul.f32 v37, v37;
	v41 =	vmul.f32 v14, v14;
	v44 =	vld [tilespmem:s3+$0xBDA0];
	v10 =	vadd.f32 v19, v28;
	[tilespmem:s0+$0x13E00] =	vst v39  }
0x2bf: {  	v19 =	vadd.f32 v15, v14;
	v28 =	vld [tilespmem:s3+$0xBE20];
	v39 =	vperm.xlane v13, v2;
	v18 =	vadd.f32 v18, v38  }
0x2c0: {  	v45 =	vmul.f32 v15, v15;
	v46 =	vmul.f32 v9, v9;
	v38 =	vld [tilespmem:s12+$0x4030];
	v47 =	vadd.f32 v10, v9  }
0x2c1: {  	v49 =	vmul.f32 v10, v10;
	v48 =	vld [tilespmem:s12+$0x40B0];
	v50 =	vadd.f32 v13, v39;
	v13 =	vperm.xlane v18, v2  }
0x2c2: {  	v21 =	vadd.f32 v21, v42;
	v39 =	vadd.f32 v20, v34;
	v34 =	vld [tilespmem:s12+$0x4130];
	v20 =	vmul.f32 v32, v17  }
0x2c3: {  	v42 =	vld [tilespmem:s3+$0xBD30];
	v17 =	vadd.f32 v40, v44;
	v40 =	vperm.xlane v50, v3;
	v18 =	vadd.f32 v13, v18  }
0x2c4: {  	v43 =	vadd.f32 v39, v43;
	v44 =	vmul.f32 v39, v39;
	v51 =	vld [tilespmem:s3+$0xBDB0];
	v13 =	vadd.f32 v8, v28;
	[tilespmem:s0+$0x13E10] =	vst v20  }
0x2c5: {  	v28 =	vadd.f32 v45, v41;
	v41 =	vld [tilespmem:s3+$0xBE30];
	v8 =	vadd.f32 v50, v40;
	v20 =	vperm.xlane v18, v3  }
0x2c6: {  	v46 =	vadd.f32 v49, v46;
	v19 =	vadd.f32 v17, v19;
	v50 =	vmul.f32 v17, v17;
	v45 =	vld [tilespmem:s12+$0x4040]  }
0x2c7: {  	v47 =	vadd.f32 v13, v47;
	v49 =	vld [tilespmem:s12+$0x40C0];
	v18 =	vadd.f32 v20, v18;
	v8 =	vmul.f32 $7.812500000e-03, v8  }
0x2c8: {  	v21 =	vadd.f32 v44, v21;
	v40 =	vadd.f32 v38, v42;
	v38 =	vmul.f32 v13, v13;
	v42 =	vld [tilespmem:s12+$0x4140]  }
0x2c9: {  	v44 =	vld [tilespmem:s3+$0xBD40];
	v20 =	vadd.f32 v48, v51;
	v48 =	vmul.f32 $7.812500000e-03, v18;
	v51 =	vmul.f32 v8, v8  }
0x2ca: {  	v43 =	vadd.f32 v40, v43;
	v52 =	vmul.f32 v40, v40;
	v53 =	vld [tilespmem:s3+$0xBDC0];
	v18 =	vadd.f32 v34, v41  }
0x2cb: {  	v34 =	vadd.f32 v50, v28;
	v41 =	vmul.f32 v20, v20;
	v50 =	vld [tilespmem:s3+$0xBE40];
	v28 =	vsub.f32 v48, v51  }
0x2cc: {  	v38 =	vadd.f32 v38, v46;
	v51 =	vadd.f32 v20, v19;
	v48 =	vld [tilespmem:s12+$0x4050];
	v46 =	vmul.f32 v18, v18  }
0x2cd: {  	v55 =	vmul.f32 v32, v22;
	v47 =	vadd.f32 v18, v47;
	v54 =	vld [tilespmem:s12+$0x40D0];
	v19 =	vadd.f32 $1.000000050e-03, v28  }
0x2ce: {  	v29 =	vmul.f32 v32, v29;
	v21 =	vadd.f32 v52, v21;
	v28 =	vadd.f32 v45, v44;
	v44 =	vld [tilespmem:s12+$0x4150]  }
0x2cf: {  	v45 =	vld [tilespmem:s3+$0xBD50];
	v22 =	vadd.f32 v49, v53;
	v49 =	vshra.s32 v19, $0x1;
	v52 =	vmul.f32 $5.000000000e-01, v19;
	[tilespmem:s0+$0x13E20] =	vst v55  }
0x2d0: {  	v43 =	vadd.f32 v28, v43;
	v53 =	vld [tilespmem:s3+$0xBDD0];
	v19 =	vadd.f32 v42, v50;
	v42 =	vsub.s32 $0x5F3759DF, v49;
	[tilespmem:s0+$0x13E30] =	vst v29  }
0x2d1: {  	v34 =	vadd.f32 v41, v34;
	v41 =	vadd.f32 v22, v51;
	v49 =	vld [tilespmem:s3+$0xBE50];
	v29 =	vmul.f32 v42, v52  }
0x2d2: {  	v38 =	vadd.f32 v46, v38;
	v50 =	vmul.f32 v28, v28;
	v51 =	vld [tilespmem:s12+$0x4060];
	v46 =	vadd.f32 v19, v47  }
0x2d3: {  	v56 =	vsub.f32 v24, v8;
	v47 =	vmul.f32 v22, v22;
	v52 =	vld [tilespmem:s12+$0x40E0];
	v55 =	vmul.f32 v42, v29  }
0x2d4: {  	v50 =	vadd.f32 v50, v21;
	v29 =	vadd.f32 v48, v45;
	v45 =	vmul.f32 v19, v19;
	v48 =	vld [tilespmem:s12+$0x4160]  }
0x2d5: {  	v57 =	vld [tilespmem:s3+$0xBD60];
	v24 =	vadd.f32 v54, v53;
	v53 =	vsub.f32 $1.500000000e+00, v55;
	v54 =	vmul.f32 v32, v26  }
0x2d6: {  	v43 =	vadd.f32 v29, v43;
	v55 =	vmul.f32 v29, v29;
	v58 =	vld [tilespmem:s3+$0xBDE0];
	v21 =	vadd.f32 v44, v49  }
0x2d7: {  	v31 =	vsub.f32 v31, v8;
	v34 =	vadd.f32 v47, v34;
	v44 =	vld [tilespmem:s3+$0xBE60];
	v26 =	vmul.f32 v42, v53;
	[tilespmem:s0+$0x13E40] =	vst v54  }
0x2d8: {  	v38 =	vadd.f32 v45, v38;
	v41 =	vadd.f32 v24, v41;
	v47 =	vmul.f32 v24, v24;
	v42 =	vld [tilespmem:s12+$0x4070]  }
0x2d9: {  	v46 =	vadd.f32 v21, v46;
	v49 =	vmul.f32 v21, v21;
	v45 =	vld [tilespmem:s12+$0x40F0];
	v53 =	vmul.f32 v26, v31  }
0x2da: {  	v54 =	vmul.f32 v32, v27;
	v50 =	vadd.f32 v55, v50;
	v31 =	vadd.f32 v51, v57;
	v51 =	vld [tilespmem:s12+$0x4170]  }
0x2db: {  	v34 =	vadd.f32 v47, v34;
	v47 =	vmul.f32 v32, v23;
	v55 =	vld [tilespmem:s3+$0xBD70];
	v27 =	vadd.f32 v52, v58;
	[tilespmem:s3+$0x13EF0] =	vst v53  }
0x2dc: {  	v43 =	vadd.f32 v31, v43;
	v52 =	vmul.f32 v31, v31;
	v53 =	vld [tilespmem:s3+$0xBDF0];
	v23 =	vadd.f32 v48, v44;
	[tilespmem:s0+$0x13E50] =	vst v54  }
0x2dd: {  	v38 =	vadd.f32 v49, v38;
	v41 =	vadd.f32 v27, v41;
	v44 =	vmul.f32 v27, v27;
	v48 =	vld [tilespmem:s3+$0xBE70];
	[tilespmem:s0+$0x13E60] =	vst v47  }
0x2de: {  	v47 =	vadd.f32 v52, v50;
	v46 =	vadd.f32 v23, v46;
	v49 =	vmul.f32 v23, v23  }
0x2df: {  	v25 =	vmul.f32 v32, v25;
	v50 =	vsub.f32 v30, v8;
	v44 =	vadd.f32 v44, v34  }
0x2e0: {  	v34 =	vadd.f32 v42, v55;
	v32 =	vadd.f32 v49, v38;
	v38 =	vmul.f32 v26, v56  }
0x2e1: {  	v42 =	vmul.f32 v26, v50;
	v30 =	vadd.f32 v45, v53;
	v45 =	vsub.f32 v33, v8;
	[tilespmem:s0+$0x13E70] =	vst v25  }
0x2e2: {  	v33 =	vadd.f32 v34, v43;
	v43 =	vmul.f32 v34, v34;
	v25 =	vadd.f32 v51, v48;
	[tilespmem:s3+$0x13E80] =	vst v38  }
0x2e3: {  	v38 =	vadd.f32 v30, v41;
	v41 =	vmul.f32 v30, v30;
	[tilespmem:s3+$0x13E90] =	vst v42;
	v42 =	vsub.f32 v35, v8  }
0x2e4: {  	v35 =	vadd.f32 v43, v47;
	v43 =	vadd.f32 v25, v46;
	v46 =	vmul.f32 v25, v25  }
0x2e5: {  	v47 =	vperm.xlane v33, v0;
	v41 =	vadd.f32 v41, v44;
	v44 =	vperm.xlane v38, v0  }
0x2e6: {  	v48 =	vperm.xlane v35, v0;
	v32 =	vadd.f32 v46, v32;
	v46 =	vperm.xlane v43, v0  }
0x2e7: {  	v33 =	vadd.f32 v33, v47;
	v38 =	vadd.f32 v38, v44;
	v44 =	vperm.xlane v41, v0  }
0x2e8: {  	v35 =	vadd.f32 v48, v35;
	v43 =	vadd.f32 v43, v46;
	v46 =	vperm.xlane v32, v0  }
0x2e9: {  	v47 =	vperm.xlane v33, v1;
	v48 =	vperm.xlane v38, v1;
	v41 =	vadd.f32 v44, v41  }
0x2ea: {  	v44 =	vperm.xlane v35, v1;
	v49 =	vperm.xlane v43, v1;
	v32 =	vadd.f32 v46, v32  }
0x2eb: {  	v33 =	vadd.f32 v33, v47;
	v38 =	vadd.f32 v38, v48;
	v46 =	vperm.xlane v41, v1  }
0x2ec: {  	v35 =	vadd.f32 v44, v35;
	v43 =	vadd.f32 v43, v49;
	v44 =	vperm.xlane v32, v1  }
0x2ed: {  	v47 =	vperm.xlane v33, v2;
	v48 =	vperm.xlane v38, v2;
	v41 =	vadd.f32 v46, v41  }
0x2ee: {  	v46 =	vperm.xlane v35, v2;
	v49 =	vperm.xlane v43, v2;
	v32 =	vadd.f32 v44, v32  }
0x2ef: {  	v33 =	vadd.f32 v33, v47;
	v38 =	vadd.f32 v38, v48;
	v44 =	vperm.xlane v41, v2  }
0x2f0: {  	v35 =	vadd.f32 v46, v35;
	v43 =	vadd.f32 v43, v49;
	v46 =	vperm.xlane v32, v2  }
0x2f1: {  	v47 =	vperm.xlane v33, v3;
	v48 =	vperm.xlane v38, v3;
	v41 =	vadd.f32 v44, v41  }
0x2f2: {  	v44 =	vperm.xlane v35, v3;
	v49 =	vperm.xlane v43, v3;
	v46 =	vadd.f32 v46, v32  }
0x2f3: {  	v32 =	vadd.f32 v33, v47;
	v33 =	vadd.f32 v38, v48;
	v38 =	vperm.xlane v41, v3  }
0x2f4: {  	v35 =	vadd.f32 v44, v35;
	v43 =	vadd.f32 v43, v49;
	v44 =	vperm.xlane v46, v3  }
0x2f5: {  	v32 =	vmul.f32 $7.812500000e-03, v32;
	v47 =	vadd.f32 v38, v41;
	v33 =	vmul.f32 $7.812500000e-03, v33  }
0x2f6: {  	v35 =	vmul.f32 $7.812500000e-03, v35;
	v44 =	vadd.f32 v44, v46;
	v38 =	vmul.f32 $7.812500000e-03, v43  }
.Ltmp1:
0x2f7: {  	v43 =	vmul.f32 v32, v32;
	v41 =	vsub.f32 v36, v32;
	v46 =	vmul.f32 $7.812500000e-03, v47;
	(pc) =	sbr.rel @p0 .LBB2_5-.Ltmp1, $4  }
0x2f8: {  	v37 =	vsub.f32 v37, v32;
	v47 =	vmul.f32 v33, v33;
	v48 =	vmul.f32 $7.812500000e-03, v44  }
0x2f9: {  	v36 =	vsub.f32 v39, v32;
	v44 =	vsub.f32 v35, v43;
	v39 =	vmul.f32 v38, v38  }
0x2fa: {  	v35 =	vsub.f32 v40, v32;
	v40 =	vmul.f32 v26, v45;
	v43 =	vsub.f32 v46, v47  }
0x2fb: {  	s11 =	sadd.s32 $0x4, s11;
	v42 =	vmul.f32 v26, v42;
	v44 =	vadd.f32 $1.000000050e-03, v44;
	v39 =	vsub.f32 v48, v39  }
0x2fc: {  	_ = 	snop  }
0x2fd: {  	v45 =	vshra.s32 v44, $0x1;
	v49 =	vmul.f32 $5.000000000e-01, v44  }
0x2fe: {  	v45 =	vsub.s32 $0x5F3759DF, v45  }
0x2ff: {  	v44 =	vmul.f32 v45, v49;
	_ =	sdelay $0x1  }
0x300: {  	[tilespmem:s3+$0x13EA0] =	vst v40;
	v16 =	vmul.f32 v7, v16;
	v44 =	vmul.f32 v45, v44  }
0x301: {  	v43 =	vadd.f32 $1.000000050e-03, v43;
	v11 =	vmul.f32 v7, v11;
	v4 =	vsub.f32 v4, v8;
	[tilespmem:s3+$0x13EB0] =	vst v42  }
0x302: {  	v54 =	vmul.f32 v7, v12;
	v6 =	vsub.f32 v6, v8;
	[tilespmem:s0+$0x13EC0] =	vst v16;
	v44 =	vsub.f32 $1.500000000e+00, v44  }
0x303: {  	v5 =	vsub.f32 v5, v8;
	v50 =	vmul.f32 $5.000000000e-01, v43;
	[tilespmem:s0+$0x13ED0] =	vst v11;
	v4 =	vmul.f32 v26, v4  }
0x304: {  	v51 =	vshra.s32 v43, $0x1;
	[tilespmem:s0+$0x13EE0] =	vst v54;
	v6 =	vmul.f32 v26, v6;
	v52 =	vmul.f32 v45, v44  }
0x305: {  	v53 =	vsub.s32 $0x5F3759DF, v51;
	[tilespmem:s3+$0x13EC0] =	vst v4;
	v4 =	vmul.f32 v26, v5  }
0x306: {  	v55 =	vmul.f32 v53, v50;
	[tilespmem:s3+$0x13ED0] =	vst v6;
	v56 =	vmul.f32 v52, v41  }
0x307: {  	v28 =	vsub.f32 v28, v32;
	[tilespmem:s3+$0x13EE0] =	vst v4;
	v57 =	vmul.f32 v52, v37  }
0x308: {  	v29 =	vsub.f32 v29, v32;
	v12 =	vmul.f32 v53, v55;
	v58 =	vmul.f32 v52, v36;
	[tilespmem:s3+$0x13D00] =	vst v56  }
0x309: {  	v31 =	vsub.f32 v31, v32;
	v39 =	vadd.f32 $1.000000050e-03, v39;
	v60 =	vmul.f32 v52, v35;
	[tilespmem:s3+$0x13D10] =	vst v57  }
0x30a: {  	v63 =	vsub.f32 v34, v32;
	v12 =	vsub.f32 $1.500000000e+00, v12;
	v61 =	vmul.f32 v52, v28;
	[tilespmem:s3+$0x13D20] =	vst v58  }
0x30b: {  	v14 =	vsub.f32 v14, v33;
	v62 =	vmul.f32 $5.000000000e-01, v39;
	v34 =	vmul.f32 v52, v29;
	[tilespmem:s3+$0x13D30] =	vst v60  }
0x30c: {  	v59 =	vshra.s32 v39, $0x1;
	v12 =	vmul.f32 v53, v12;
	v35 =	vmul.f32 v52, v31;
	[tilespmem:s3+$0x13D40] =	vst v61  }
0x30d: {  	v15 =	vsub.f32 v15, v33;
	v37 =	vsub.s32 $0x5F3759DF, v59;
	v39 =	vmul.f32 v52, v63;
	[tilespmem:s3+$0x13D50] =	vst v34  }
0x30e: {  	v17 =	vsub.f32 v17, v33;
	v28 =	vmul.f32 v37, v62;
	v40 =	vmul.f32 v12, v14;
	[tilespmem:s3+$0x13D60] =	vst v35  }
0x30f: {  	v44 =	vsub.f32 v22, v33;
	v42 =	vmul.f32 v12, v15;
	[tilespmem:s3+$0x13D70] =	vst v39  }
0x310: {  	v46 =	vsub.f32 v24, v33;
	v45 =	vmul.f32 v12, v17;
	v43 =	vmul.f32 v37, v28;
	[tilespmem:s3+$0x13D80] =	vst v40  }
0x311: {  	v49 =	vsub.f32 v27, v33;
	v41 =	vsub.f32 v20, v33;
	v20 =	vmul.f32 v12, v44;
	[tilespmem:s3+$0x13D90] =	vst v42  }
0x312: {  	v50 =	vsub.f32 v30, v33;
	v17 =	vmul.f32 v12, v46;
	[tilespmem:s3+$0x13DA0] =	vst v45;
	v48 =	vsub.f32 $1.500000000e+00, v43  }
0x313: {  	v52 =	vmul.f32 v12, v49;
	[tilespmem:s3+$0x13DC0] =	vst v20  }
0x314: {  	v9 =	vsub.f32 v9, v38;
	v11 =	vmul.f32 v12, v50;
	[tilespmem:s3+$0x13DD0] =	vst v17;
	v51 =	vmul.f32 v37, v48  }
0x315: {  	v10 =	vsub.f32 v10, v38;
	v47 =	vmul.f32 v12, v41;
	[tilespmem:s3+$0x13DE0] =	vst v52  }
0x316: {  	v53 =	vsub.f32 v13, v38;
	[tilespmem:s3+$0x13DF0] =	vst v11;
	v9 =	vmul.f32 v51, v9  }
0x317: {  	v54 =	vsub.f32 v18, v38;
	[tilespmem:s3+$0x13DB0] =	vst v47;
	v10 =	vmul.f32 v51, v10  }
0x318: {  	v55 =	vsub.f32 v19, v38;
	v56 =	vmul.f32 v51, v53;
	[tilespmem:s3+$0x13E00] =	vst v9  }
0x319: {  	v57 =	vsub.f32 v21, v38;
	v58 =	vmul.f32 v51, v54;
	[tilespmem:s3+$0x13E10] =	vst v10  }
0x31a: {  	s31 =	sadd.s32 $0x1, s31;
	v59 =	vsub.f32 v23, v38;
	v60 =	vmul.f32 v51, v55;
	[tilespmem:s3+$0x13E20] =	vst v56  }
0x31b: {  	p0 =	sne.s32 s31, $0x19;
	v61 =	vsub.f32 v25, v38;
	v62 =	vmul.f32 v51, v57;
	[tilespmem:s3+$0x13E30] =	vst v58  }
.Ltmp2:
0x31c: {  	v63 =	vmul.f32 v51, v59;
	[tilespmem:s3+$0x13E40] =	vst v60;
	(pc) =	sbr.rel @p0 .LBB2_2-.Ltmp2, $4  }
0x31d: {  	v7 =	vmul.f32 v51, v61;
	[tilespmem:s3+$0x13E50] =	vst v62  }
0x31e: {  	s16 =	sshll.u32 s2, $0x4;
	s30 =	sadd.s32 $0x20000, s30;
	s29 =	sadd.s32 $0x100, s29;
	[tilespmem:s3+$0x13E60] =	vst v63  }
0x31f: {  	s28 =	sadd.s32 $0x8000, s28;
	s26 =	sadd.s32 $0x100, s26;
	s0 =	sadd.s32 s4, s16;
	[tilespmem:s3+$0x13E70] =	vst v7  }
0x320: {  	[hbm4b:s0+s5] =	stream.linear.scatter [tilespmem:s22], [sflag:$0x4], $0x4000, $0x38;
	[tilespmem:$0x17D00] =	vst v63  }
0x321: {  	_ =	swait.ge [sflag:s23], $0x4000  }
0x322: {  	[sflag:s23] =	ssyncset.done $0x0  }
0x323: {  	[sflag:s23] =	ssyncadd.s32 $0xFFFFC000  }
0x324: {  	_ =	swait.ge [sflag:s24], $0x4000  }
0x325: {  	s25 =	sadd.s32 $0x1, s25;
	s0 =	rddreg [dreg:$0x6]  }
0x326: {  	p0 =	sne.s32 s25, s0  }
.Ltmp3:
0x327: {  	_ = 	snop;
	(pc) =	sbr.rel @p0 .LBB2_1-.Ltmp3, $3  }
0x328: {  	_ =	sdelay $0x1  }
0x329: {  	[sflag:s24] =	ssyncset.done $0x0  }
0x32a: {  	[sflag:s24] =	ssyncadd.s32 $0xFFFFC000  }
0x32b: {  	_ =	sfence.sel $0x180000  }
0x32c: {  	[bflag:$0x0] =	sbarrier.arrive $0xFFFF  }
0x32d: {  	_ =	strace $0x90000047  }
0x32e: {  	s0 =	stileid.u32;
	[bflag:$0x2] =	sbarrier.arrive $0xFFFF  }
0x32f: {  	p0 =	sne.s32 s0, $0x0;
	s0 =	rddreg [dreg:$0x4]  }
0x330: {  	s0 =	sadd.s32 @!p0 $0x100000, s0  }
0x331: {  	[sflag:s0] =	ssyncadd.tile.s32 @!p0 $0x1;
	_ =	shalt  }
.Lfunc_end2:
_tile_overlayer_lowered:
.L_overlay_start_2:
0x332: {  	(tag) =	ssettag $0x2  }
0x333: {  	s0 =	rddreg [dreg:$0x0];
	s2 =	stileid.u32  }
0x334: {  	s1 =	rddreg [dreg:$0x1];
	p0 =	sne.s32 s2, $0x0  }
0x335: {  	s3 =	rddreg [dreg:$0x2];
	[bflag:$0x3] =	sbarrier.arrive $0xFFFF;
	s2 =	simm.s32 @!p0 $0x1C05  }
0x336: {  	[timem:s3], [sflag:s2] =	dma.local @!p0 [hbm:s0], s1  }
0x337: {  	s0 =	simm.s32 @!p0 $0x5  }
0x338: {  	_ =	swait.ge @!p0 [sflag:s0], s1  }
0x339: {  	s1 =	ssub.s32 @!p0 $0x0, s1;
	[sflag:s0] =	ssyncset.done @!p0 $0x0  }
0x33a: {  	[sflag:s0] =	ssyncadd.s32 @!p0 s1  }
0x33b: {  	[bflag:$0x3] =	sbarrier.arrive $0xFFFF  }
0x33c: {  	_ =	shalt  }

</sc_bundles>
